<compile_context>
chip_gen: v7x
topology: tpu7x:2x2x1
jax: 0.10.2.dev20260603
libtpu: 0.0.44.dev20260713+nightly
codegen_flags: <defaults>
</compile_context>

<pallas_src>
import functools

import jax
import jax.numpy as jnp
from jax import lax
from jax.experimental import pallas as pl
from jax.experimental.pallas import tpu as pltpu
from jax.experimental.pallas import tpu_sc as plsc

N = 10000
NP = 10240
E = 320000
DL = 16
DW = 128
DH = 128
NLAYERS = 3
NLBL_PAD = 64

NC, NS = 2, 16
NW = NC * NS
CH = 80

EW = E // NW
CW = EW // CH
ET = E // NS
CT = ET // CH
BI = 25
NT = NP // NS

_MESH = plsc.VectorSubcoreMesh(core_axis_name="c", subcore_axis_name="s")



@functools.partial(
    pl.kernel,
    out_type=jax.ShapeDtypeStruct((NP, DW), jnp.float32),
    mesh=_MESH,
    scratch_types=[
        pltpu.VMEM((NP // NW // CH, CH), jnp.int32),
        pltpu.VMEM((CH, DW), jnp.float32),
        pltpu.SemaphoreType.DMA,
    ],
)
def _tok_gather(tok3, emb_token, out, idx_v, buf, sem):
    wid = lax.axis_index("c") * NS + lax.axis_index("s")
    pltpu.sync_copy(tok3.at[wid], idx_v)
    nch = NP // NW // CH

    def body(j, _):
        pltpu.async_copy(emb_token.at[idx_v.at[j]], buf, sem).wait()
        pltpu.sync_copy(buf, out.at[pl.ds(wid * (NP // NW) + j * CH, CH)])
        return _

    lax.fori_loop(0, nch, body, None)


@functools.partial(
    pl.kernel,
    out_type=jax.ShapeDtypeStruct((E, DH), jnp.float32),
    mesh=_MESH,
    scratch_types=[
        pltpu.VMEM((CW, CH), jnp.int32),
        pltpu.VMEM((CH, DH), jnp.float32),
        pltpu.SemaphoreType.DMA,
    ],
)
def _edge_gather(frm3, nodeL, s_out, fidx, buf, sem):
    wid = lax.axis_index("c") * NS + lax.axis_index("s")
    pltpu.sync_copy(frm3.at[wid], fidx)

    def body(j, _):
        pltpu.async_copy(nodeL.at[fidx.at[j]], buf, sem).wait()
        pltpu.sync_copy(buf, s_out.at[pl.ds(wid * EW + j * CH, CH)])
        return _

    lax.fori_loop(0, CW, body, None)


@functools.partial(
    pl.kernel,
    out_type=jax.ShapeDtypeStruct((NC, NP, DH), jnp.float32),
    mesh=_MESH,
    scratch_types=[
        pltpu.VMEM((CT, CH), jnp.int32),
        pltpu.VMEM((CH, DH), jnp.float32),
        pltpu.VMEM_SHARED((NP, DH), jnp.float32),
        pltpu.SemaphoreType.DMA,
    ],
)
def _x_sums(u, sidx4, zeros, out, sidx, buf, acc, sem):
    c = lax.axis_index("c")
    s = lax.axis_index("s")
    pltpu.sync_copy(sidx4.at[c, s], sidx)
    pltpu.sync_copy(zeros.at[pl.ds(s * NT, NT)], acc.at[pl.ds(s * NT, NT)])
    plsc.subcore_barrier()

    def body(j, _):
        pltpu.sync_copy(u.at[pl.ds(s * ET + j * CH, CH)], buf)
        pltpu.sync_copy(buf, acc.at[sidx.at[j]], add=True)
        return _

    lax.fori_loop(0, CT, body, None)
    plsc.subcore_barrier()
    pltpu.sync_copy(acc.at[pl.ds(s * NT, NT)], out.at[c, pl.ds(s * NT, NT)])


@functools.partial(
    pl.kernel,
    out_type=jax.ShapeDtypeStruct((NC, NP, DH), jnp.float32),
    mesh=_MESH,
    scratch_types=[
        pltpu.VMEM((BI, CH), jnp.int32),
        pltpu.VMEM((BI, CH), jnp.int32),
        pltpu.VMEM((CH, DH), jnp.float32),
        pltpu.VMEM_SHARED((NP, DH), jnp.float32),
        pltpu.SemaphoreType.DMA,
    ],
)
def _h_sums(h, gidx4, sidx4, zeros, out, gidx, sidx, buf, acc, sem):
    c = lax.axis_index("c")
    s = lax.axis_index("s")
    pltpu.sync_copy(zeros.at[pl.ds(s * NT, NT)], acc.at[pl.ds(s * NT, NT)])
    plsc.subcore_barrier()

    def blk(jb, _):
        pltpu.sync_copy(gidx4.at[c, s, jb], gidx)
        pltpu.sync_copy(sidx4.at[c, s, jb], sidx)

        def body(j, __):
            pltpu.async_copy(h.at[gidx.at[j]], buf, sem).wait()
            pltpu.sync_copy(buf, acc.at[sidx.at[j]], add=True)
            return __

        lax.fori_loop(0, BI, body, None)
        return _

    lax.fori_loop(0, CT // BI, blk, None)
    plsc.subcore_barrier()
    pltpu.sync_copy(acc.at[pl.ds(s * NT, NT)], out.at[c, pl.ds(s * NT, NT)])



_NBLK = 640
_EBLK = 2000


def _tables_body(wemb_ref, Wc_ref, bc_ref, Wl1_ref, Wl2_ref, bl_ref, embl_ref,
                 nodeL_ref, labelL_ref):
    t = jnp.tanh(jnp.dot(wemb_ref[...], Wc_ref[...],
                         preferred_element_type=jnp.float32) + bc_ref[...])
    nodeL_ref[...] = jnp.dot(t, Wl2_ref[...], preferred_element_type=jnp.float32)
    labelL_ref[...] = jnp.dot(embl_ref[...], Wl1_ref[...],
                              preferred_element_type=jnp.float32) + bl_ref[...]


def _tables(wemb, Wc, bc, Wl1, Wl2, bl, embl):
    return pl.pallas_call(
        _tables_body,
        grid=(NP // _NBLK,),
        in_specs=[
            pl.BlockSpec((_NBLK, DW), lambda i: (i, 0)),
            pl.BlockSpec((DW, DH), lambda i: (0, 0)),
            pl.BlockSpec((1, DH), lambda i: (0, 0)),
            pl.BlockSpec((DW, DH), lambda i: (0, 0)),
            pl.BlockSpec((DW, DH), lambda i: (0, 0)),
            pl.BlockSpec((1, DH), lambda i: (0, 0)),
            pl.BlockSpec((NLBL_PAD, DW), lambda i: (0, 0)),
        ],
        out_specs=[
            pl.BlockSpec((_NBLK, DH), lambda i: (i, 0)),
            pl.BlockSpec((NLBL_PAD, DH), lambda i: (0, 0)),
        ],
        out_shape=[jax.ShapeDtypeStruct((NP, DH), jnp.float32),
                   jax.ShapeDtypeStruct((NLBL_PAD, DH), jnp.float32)],
    )(wemb, Wc, bc, Wl1, Wl2, bl, embl)


def _edge_tanh_body(s_ref, lnk_ref, labelL_ref, u_ref):
    lnk = lnk_ref[...].reshape(_EBLK, 1)
    onehot = (lnk == lax.broadcasted_iota(jnp.int32, (1, NLBL_PAD), 1))
    lbl = jnp.dot(onehot.astype(jnp.float32), labelL_ref[...],
                  preferred_element_type=jnp.float32)
    u_ref[...] = jnp.tanh(s_ref[...] + lbl)


def _edge_tanh(s, lnk3, labelL):
    return pl.pallas_call(
        _edge_tanh_body,
        grid=(E // _EBLK,),
        in_specs=[
            pl.BlockSpec((_EBLK, DH), lambda i: (i, 0)),
            pl.BlockSpec((1, 1, _EBLK), lambda i: (i, 0, 0)),
            pl.BlockSpec((NLBL_PAD, DH), lambda i: (0, 0)),
        ],
        out_specs=pl.BlockSpec((_EBLK, DH), lambda i: (i, 0)),
        out_shape=jax.ShapeDtypeStruct((E, DH), jnp.float32),
    )(s, lnk3, labelL)


def _gates_body(xin_ref, xout_ref, hin_ref, hout_ref, c_ref, Wg_ref, bg_ref,
                h_ref, cout_ref):
    inp = jnp.concatenate(
        [xin_ref[...], xout_ref[...], hin_ref[...], hout_ref[...]], axis=1)
    g = jnp.dot(inp, Wg_ref[...], preferred_element_type=jnp.float32)
    g = g + bg_ref[...]
    gi = jax.nn.sigmoid(g[:, 0 * DH:1 * DH])
    go = jax.nn.sigmoid(g[:, 1 * DH:2 * DH])
    gf = jax.nn.sigmoid(g[:, 2 * DH:3 * DH])
    gu = jnp.tanh(g[:, 3 * DH:4 * DH])
    cn = gf * c_ref[...] + gi * gu
    cout_ref[...] = cn
    h_ref[...] = go * jnp.tanh(cn)


def _gates(x_in, x_out, h_in, h_out, c, Wg, bg):
    row = pl.BlockSpec((_NBLK, DH), lambda i: (i, 0))
    return pl.pallas_call(
        _gates_body,
        grid=(NP // _NBLK,),
        in_specs=[row, row, row, row, row,
                  pl.BlockSpec((4 * DH, 4 * DH), lambda i: (0, 0)),
                  pl.BlockSpec((1, 4 * DH), lambda i: (0, 0))],
        out_specs=[row, row],
        out_shape=[jax.ShapeDtypeStruct((NP, DH), jnp.float32),
                   jax.ShapeDtypeStruct((NP, DH), jnp.float32)],
    )(x_in, x_out, h_in, h_out, c, Wg, bg)




def kernel(i_token, i_link, i_from, i_to, emb_token, emb_link, W_c, b_c,
           W_l, b_l, W_gi, b_gi, W_go, b_go, W_gf, b_gf, W_gu, b_gu):
    i_token = i_token.astype(jnp.int32)
    i_link = i_link.astype(jnp.int32)
    i_from = i_from.astype(jnp.int32)
    i_to = i_to.astype(jnp.int32)

    tok3 = jnp.pad(i_token, (0, NP - N)).reshape(NW, NP // NW // CH, CH)
    frm3w = i_from.reshape(NW, CW, CH)
    frm3t = i_from.reshape(NS, CT, CH)
    to3t = i_to.reshape(NS, CT, CH)
    sidx4 = jnp.stack([to3t, frm3t])
    gidx4 = jnp.stack([frm3t, to3t])
    sidx5 = sidx4.reshape(NC, NS, CT // BI, BI, CH)
    gidx5 = gidx4.reshape(NC, NS, CT // BI, BI, CH)
    lnk3 = i_link.reshape(E // _EBLK, 1, _EBLK)

    Wl1 = jnp.pad(W_l[:DL], ((0, DW - DL), (0, 0)))
    Wl2 = W_l[DL:]
    embl = jnp.pad(emb_link, ((0, NLBL_PAD - emb_link.shape[0]), (0, DW - DL)))
    bc = b_c.reshape(1, DH)
    bl = b_l.reshape(1, DH)
    Wg = jnp.concatenate([W_gi, W_go, W_gf, W_gu], axis=1)
    bg = jnp.concatenate([b_gi, b_go, b_gf, b_gu]).reshape(1, 4 * DH)
    zeros = jnp.zeros((NP, DH), jnp.float32)

    wemb = _tok_gather(tok3, emb_token)
    nodeL, labelL = _tables(wemb, W_c, bc, Wl1, Wl2, bl, embl)
    s = _edge_gather(frm3w, nodeL)
    u = _edge_tanh(s, lnk3, labelL)
    xs = _x_sums(u, sidx4, zeros)
    x_in, x_out = xs[0], xs[1]

    h, c = _gates(x_in, x_out, zeros, zeros, zeros, Wg, bg)
    for _ in range(NLAYERS - 1):
        hs = _h_sums(h, gidx5, sidx5, zeros)
        h, c = _gates(x_in, x_out, hs[0], hs[1], c, Wg, bg)
    return h[:N]

# --- scband reference (transcript-rebuilt; emitter-appended) ---
"""Pipeline reference for scband-model-84387517432579 (READ-ONLY COPY).

The authoritative reference and input builder live on the scoring server;
editing this copy changes nothing except your own understanding.
"""

import jax, jax.numpy as jnp
import numpy as np

N = 10000
E = 320000
VOCAB = 100000
NLBL = 50
DW = 128   # dim_embs['word']
DL = 16    # dim_embs['link_label']
DN = 128   # dim_embs['node']
DH = 128   # dim_embs['state'] (= dim_x = dim_h)
NLAYERS = 3


def setup_inputs(seed: int = 0) -> dict:
    key = jax.random.key(seed)
    ks = jax.random.split(key, 16)
    inp = {}
    inp["i_token"] = jax.random.randint(ks[0], (N,), 0, VOCAB)
    inp["i_link"] = jax.random.randint(ks[1], (E,), 0, NLBL)
    inp["i_from"] = jax.random.randint(ks[2], (E,), 0, N)
    inp["i_to"] = jax.random.randint(ks[3], (E,), 0, N)
    # learned parameters
    inp["emb_token"] = jax.random.normal(ks[4], (VOCAB, DW), dtype=jnp.float32) * (1.0 / DW ** 0.5)
    inp["emb_link"] = jax.random.normal(ks[5], (NLBL, DL), dtype=jnp.float32) * (1.0 / DL)
    inp["W_c"] = jax.random.normal(ks[6], (DW, DN), dtype=jnp.float32) * 0.05
    inp["b_c"] = jnp.zeros((DN,), dtype=jnp.float32)
    inp["W_l"] = jax.random.normal(ks[7], (DL + DN, DH), dtype=jnp.float32) * 0.05
    inp["b_l"] = jnp.zeros((DH,), dtype=jnp.float32)
    gin = 2 * DH + 2 * DH  # dim_x*2 + dim_h*2 = 512
    inp["W_gi"] = jax.random.normal(ks[8], (gin, DH), dtype=jnp.float32) * 0.05
    inp["b_gi"] = jnp.zeros((DH,), dtype=jnp.float32)
    inp["W_go"] = jax.random.normal(ks[9], (gin, DH), dtype=jnp.float32) * 0.05
    inp["b_go"] = jnp.zeros((DH,), dtype=jnp.float32)
    inp["W_gf"] = jax.random.normal(ks[10], (gin, DH), dtype=jnp.float32) * 0.05
    inp["b_gf"] = jnp.zeros((DH,), dtype=jnp.float32)
    inp["W_gu"] = jax.random.normal(ks[11], (gin, DH), dtype=jnp.float32) * 0.05
    inp["b_gu"] = jnp.zeros((DH,), dtype=jnp.float32)
    return inp


def reference(i_token, i_link, i_from, i_to,
              emb_token, emb_link,
              W_c, b_c, W_l, b_l,
              W_gi, b_gi, W_go, b_go, W_gf, b_gf, W_gu, b_gu):
    # DocumentGraphEncoder.forward (eval mode: dropout is identity)
    word_emb = jnp.take(emb_token, i_token, axis=0)            # (N, DW)
    node_emb = jnp.tanh(word_emb @ W_c + b_c)                  # (N, DN)
    edge_emb = jnp.take(emb_link, i_link, axis=0)              # (E, DL)
    h = jnp.zeros((N, DH), dtype=jnp.float32)
    c = jnp.zeros((N, DH), dtype=jnp.float32)
    for _ in range(NLAYERS):
        # GS_LSTM layer
        link_in = jnp.concatenate([edge_emb, node_emb[i_from]], axis=1)  # (E, DL+DN)
        link_x = jnp.tanh(link_in @ W_l + b_l)                           # (E, DH)
        x_in = jax.ops.segment_sum(link_x, i_to, num_segments=N)
        x_out = jax.ops.segment_sum(link_x, i_from, num_segments=N)
        h_in = jax.ops.segment_sum(h[i_from], i_to, num_segments=N)
        h_out = jax.ops.segment_sum(h[i_to], i_from, num_segments=N)
        inp = jnp.concatenate([x_in, x_out, h_in, h_out], axis=1)       # (N, 4*DH)
        gi = jax.nn.sigmoid(inp @ W_gi + b_gi)
        go = jax.nn.sigmoid(inp @ W_go + b_go)
        gf = jax.nn.sigmoid(inp @ W_gf + b_gf)
        gu = jnp.tanh(inp @ W_gu + b_gu)
        c = gf * c + gi * gu
        h = go * jnp.tanh(c)
    return h

if __name__ == "__main__":
    import jax
    _d = setup_inputs()
    print(jax.jit(kernel)(*tuple(_d.values())))

</pallas_src>

<mosaic_0001>
#map = affine_map<(d0, d1) -> (0, 0, 0)>
#map1 = affine_map<(d0, d1) -> (0, 0)>
module attributes {stable_mosaic.version = 14 : i64} {
  func.func @_edge_gather(%arg0: i32, %arg1: i32, %arg2: memref<32x125x80xi32, #tpu.memory_space<hbm>>, %arg3: memref<10240x128xf32, #tpu.memory_space<hbm>>, %arg4: memref<320000x128xf32, #tpu.memory_space<hbm>>, %arg5: memref<125x80xi32, #tpu.memory_space<vmem>>, %arg6: memref<80x128xf32, #tpu.memory_space<vmem>>, %arg7: memref<!tpu.dma_semaphore, #tpu.memory_space<semaphore_mem>>) attributes {dimension_semantics = [#tpu.dimension_semantics<core_parallel>, #tpu.dimension_semantics<subcore_parallel>], iteration_bounds = array<i64: 2, 16>, scalar_prefetch = 0 : i64, scratch_operands = 3 : i64, tpu.core_type = #tpu.core_type<sc_vector_subcore>, window_params = [{transform_indices = #map}, {transform_indices = #map1}, {transform_indices = #map1}]} {
    %mul3A = arith.constant 16 : i32
    %mul3A_0 = arith.muli %arg0, %mul3A : i32
    %add3A = arith.addi %mul3A_0, %arg1 : i32
    "tpu.region"() ({
      %run_scoped3A = tpu.sem_alloc : memref<!tpu.dma_semaphore, #tpu.memory_space<semaphore_mem>>
      %dma_start3A = arith.constant 0 : i32
      %dma_start3A_5 = arith.constant 0 : i32
      %dma_start3A_6 = tpu.memref_slice %arg2[%add3A, %dma_start3A, %dma_start3A_5] : memref<32x125x80xi32, #tpu.memory_space<hbm>> -> memref<1x125x80xi32, #tpu.memory_space<hbm>>
      %dma_start3A_7 = tpu.memref_squeeze %dma_start3A_6 : memref<1x125x80xi32, #tpu.memory_space<hbm>> -> memref<125x80xi32, #tpu.memory_space<hbm>>
      %dma_start3A_8 = arith.constant 0 : i32
      %dma_start3A_9 = arith.constant 0 : i32
      %dma_start3A_10 = tpu.memref_slice %arg2[%add3A, %dma_start3A_8, %dma_start3A_9] : memref<32x125x80xi32, #tpu.memory_space<hbm>> -> memref<1x125x80xi32, #tpu.memory_space<hbm>>
      %dma_start3A_11 = tpu.memref_squeeze %dma_start3A_10 : memref<1x125x80xi32, #tpu.memory_space<hbm>> -> memref<125x80xi32, #tpu.memory_space<hbm>>
      tpu.enqueue_dma source(%dma_start3A_11 : memref<125x80xi32, #tpu.memory_space<hbm>>) target(%arg5 : memref<125x80xi32, #tpu.memory_space<vmem>>) target_semaphore(%run_scoped3A : memref<!tpu.dma_semaphore, #tpu.memory_space<semaphore_mem>>)
      %dma_wait3A = arith.constant 0 : i32
      %dma_wait3A_12 = arith.constant 0 : i32
      %dma_wait3A_13 = tpu.memref_slice %arg2[%add3A, %dma_wait3A, %dma_wait3A_12] : memref<32x125x80xi32, #tpu.memory_space<hbm>> -> memref<1x125x80xi32, #tpu.memory_space<hbm>>
      %dma_wait3A_14 = tpu.memref_squeeze %dma_wait3A_13 : memref<1x125x80xi32, #tpu.memory_space<hbm>> -> memref<125x80xi32, #tpu.memory_space<hbm>>
      %dma_wait3A_15 = arith.constant 0 : i32
      %dma_wait3A_16 = arith.constant 0 : i32
      %dma_wait3A_17 = tpu.memref_slice %arg2[%add3A, %dma_wait3A_15, %dma_wait3A_16] : memref<32x125x80xi32, #tpu.memory_space<hbm>> -> memref<1x125x80xi32, #tpu.memory_space<hbm>>
      %dma_wait3A_18 = tpu.memref_squeeze %dma_wait3A_17 : memref<1x125x80xi32, #tpu.memory_space<hbm>> -> memref<125x80xi32, #tpu.memory_space<hbm>>
      tpu.wait_dma2 semaphore(%run_scoped3A : memref<!tpu.dma_semaphore, #tpu.memory_space<semaphore_mem>>) src(%dma_wait3A_18 : memref<125x80xi32, #tpu.memory_space<hbm>>) dst(%arg5 : memref<125x80xi32, #tpu.memory_space<vmem>>)
      tpu.yield
    }) : () -> ()
    %scan3A = arith.constant 0 : i32
    %scan3A_1 = arith.constant 125 : i32
    %scan3A_2 = arith.addi %scan3A, %scan3A_1 : i32
    %scan3A_3 = arith.constant 1 : i32
    scf.for %scan3A_5 = %scan3A to %scan3A_2 step %scan3A_3  : i32 {
      %dma_start3A = arith.constant 0 : i32
      %dma_start3A_6 = tpu.memref_slice %arg5[%scan3A_5, %dma_start3A] : memref<125x80xi32, #tpu.memory_space<vmem>> -> memref<1x80xi32, #tpu.memory_space<vmem>>
      %dma_start3A_7 = tpu.memref_squeeze %dma_start3A_6 : memref<1x80xi32, #tpu.memory_space<vmem>> -> memref<80xi32, #tpu.memory_space<vmem>>
      %dma_start3A_8 = arith.constant 0 : i32
      %dma_start3A_9 = arith.constant 0 : i32
      %dma_start3A_10 = tpu.memref_slice %arg3[%dma_start3A_8, %dma_start3A_9] : memref<10240x128xf32, #tpu.memory_space<hbm>> -> memref<10240x128xf32, #tpu.memory_space<hbm>>
      tpu.enqueue_indirect_dma source(%dma_start3A_10 : memref<10240x128xf32, #tpu.memory_space<hbm>>) target(%arg6 : memref<80x128xf32, #tpu.memory_space<vmem>>) offsets(%dma_start3A_7 : memref<80xi32, #tpu.memory_space<vmem>>) semaphore(%arg7 : memref<!tpu.dma_semaphore, #tpu.memory_space<semaphore_mem>>)
      %dma_wait3A = arith.constant 0 : i32
      %dma_wait3A_11 = tpu.memref_slice %arg5[%scan3A_5, %dma_wait3A] : memref<125x80xi32, #tpu.memory_space<vmem>> -> memref<1x80xi32, #tpu.memory_space<vmem>>
      %dma_wait3A_12 = tpu.memref_squeeze %dma_wait3A_11 : memref<1x80xi32, #tpu.memory_space<vmem>> -> memref<80xi32, #tpu.memory_space<vmem>>
      %dma_wait3A_13 = arith.constant 0 : i32
      %dma_wait3A_14 = arith.constant 0 : i32
      %dma_wait3A_15 = tpu.memref_slice %arg3[%dma_wait3A_13, %dma_wait3A_14] : memref<10240x128xf32, #tpu.memory_space<hbm>> -> memref<10240x128xf32, #tpu.memory_space<hbm>>
      tpu.wait_indirect_dma semaphore(%arg7 : memref<!tpu.dma_semaphore, #tpu.memory_space<semaphore_mem>>) src(%dma_wait3A_15 : memref<10240x128xf32, #tpu.memory_space<hbm>>) dst(%arg6 : memref<80x128xf32, #tpu.memory_space<vmem>>)
      %mul3A_16 = arith.constant 10000 : i32
      %mul3A_17 = arith.muli %add3A, %mul3A_16 : i32
      %mul3A_18 = arith.constant 80 : i32
      %mul3A_19 = arith.muli %scan3A_5, %mul3A_18 : i32
      %add3A_20 = arith.addi %mul3A_17, %mul3A_19 : i32
      "tpu.region"() ({
        %run_scoped3A = tpu.sem_alloc : memref<!tpu.dma_semaphore, #tpu.memory_space<semaphore_mem>>
        %dma_start3A_21 = arith.constant 0 : i32
        %dma_start3A_22 = tpu.memref_slice %arg4[%add3A_20, %dma_start3A_21] : memref<320000x128xf32, #tpu.memory_space<hbm>> -> memref<80x128xf32, #tpu.memory_space<hbm>>
        %dma_start3A_23 = arith.constant 0 : i32
        %dma_start3A_24 = tpu.memref_slice %arg4[%add3A_20, %dma_start3A_23] : memref<320000x128xf32, #tpu.memory_space<hbm>> -> memref<80x128xf32, #tpu.memory_space<hbm>>
        tpu.enqueue_dma source(%arg6 : memref<80x128xf32, #tpu.memory_space<vmem>>) target(%dma_start3A_24 : memref<80x128xf32, #tpu.memory_space<hbm>>) target_semaphore(%run_scoped3A : memref<!tpu.dma_semaphore, #tpu.memory_space<semaphore_mem>>)
        %dma_wait3A_25 = arith.constant 0 : i32
        %dma_wait3A_26 = tpu.memref_slice %arg4[%add3A_20, %dma_wait3A_25] : memref<320000x128xf32, #tpu.memory_space<hbm>> -> memref<80x128xf32, #tpu.memory_space<hbm>>
        %dma_wait3A_27 = arith.constant 0 : i32
        %dma_wait3A_28 = tpu.memref_slice %arg4[%add3A_20, %dma_wait3A_27] : memref<320000x128xf32, #tpu.memory_space<hbm>> -> memref<80x128xf32, #tpu.memory_space<hbm>>
        tpu.wait_dma2 semaphore(%run_scoped3A : memref<!tpu.dma_semaphore, #tpu.memory_space<semaphore_mem>>) src(%arg6 : memref<80x128xf32, #tpu.memory_space<vmem>>) dst(%dma_wait3A_28 : memref<80x128xf32, #tpu.memory_space<hbm>>)
        tpu.yield
      }) : () -> ()
    }
    %scan3A_4 = arith.constant 125 : i32
    return
  }
}

#map = affine_map<(d0, d1) -> (0, 0)>
#map1 = affine_map<(d0, d1) -> (0, 0, 0, 0)>
#map2 = affine_map<(d0, d1) -> (0, 0, 0)>
module attributes {stable_mosaic.version = 14 : i64} {
  func.func @_x_sums(%arg0: i32, %arg1: i32, %arg2: memref<320000x128xf32, #tpu.memory_space<hbm>>, %arg3: memref<2x16x250x80xi32, #tpu.memory_space<hbm>>, %arg4: memref<10240x128xf32, #tpu.memory_space<hbm>>, %arg5: memref<2x10240x128xf32, #tpu.memory_space<hbm>>, %arg6: memref<250x80xi32, #tpu.memory_space<vmem>>, %arg7: memref<80x128xf32, #tpu.memory_space<vmem>>, %arg8: memref<10240x128xf32, #tpu.memory_space<vmem_shared>>, %arg9: memref<!tpu.dma_semaphore, #tpu.memory_space<semaphore_mem>>) attributes {dimension_semantics = [#tpu.dimension_semantics<core_parallel>, #tpu.dimension_semantics<subcore_parallel>], iteration_bounds = array<i64: 2, 16>, scalar_prefetch = 0 : i64, scratch_operands = 4 : i64, tpu.core_type = #tpu.core_type<sc_vector_subcore>, window_params = [{transform_indices = #map}, {transform_indices = #map1}, {transform_indices = #map}, {transform_indices = #map2}]} {
    "tpu.region"() ({
      %run_scoped3A = tpu.sem_alloc : memref<!tpu.dma_semaphore, #tpu.memory_space<semaphore_mem>>
      %dma_start3A = arith.constant 0 : i32
      %dma_start3A_12 = arith.constant 0 : i32
      %dma_start3A_13 = tpu.memref_slice %arg3[%arg0, %arg1, %dma_start3A, %dma_start3A_12] : memref<2x16x250x80xi32, #tpu.memory_space<hbm>> -> memref<1x1x250x80xi32, #tpu.memory_space<hbm>>
      %dma_start3A_14 = tpu.memref_squeeze %dma_start3A_13 : memref<1x1x250x80xi32, #tpu.memory_space<hbm>> -> memref<250x80xi32, #tpu.memory_space<hbm>>
      %dma_start3A_15 = arith.constant 0 : i32
      %dma_start3A_16 = arith.constant 0 : i32
      %dma_start3A_17 = tpu.memref_slice %arg3[%arg0, %arg1, %dma_start3A_15, %dma_start3A_16] : memref<2x16x250x80xi32, #tpu.memory_space<hbm>> -> memref<1x1x250x80xi32, #tpu.memory_space<hbm>>
      %dma_start3A_18 = tpu.memref_squeeze %dma_start3A_17 : memref<1x1x250x80xi32, #tpu.memory_space<hbm>> -> memref<250x80xi32, #tpu.memory_space<hbm>>
      tpu.enqueue_dma source(%dma_start3A_18 : memref<250x80xi32, #tpu.memory_space<hbm>>) target(%arg6 : memref<250x80xi32, #tpu.memory_space<vmem>>) target_semaphore(%run_scoped3A : memref<!tpu.dma_semaphore, #tpu.memory_space<semaphore_mem>>)
      %dma_wait3A = arith.constant 0 : i32
      %dma_wait3A_19 = arith.constant 0 : i32
      %dma_wait3A_20 = tpu.memref_slice %arg3[%arg0, %arg1, %dma_wait3A, %dma_wait3A_19] : memref<2x16x250x80xi32, #tpu.memory_space<hbm>> -> memref<1x1x250x80xi32, #tpu.memory_space<hbm>>
      %dma_wait3A_21 = tpu.memref_squeeze %dma_wait3A_20 : memref<1x1x250x80xi32, #tpu.memory_space<hbm>> -> memref<250x80xi32, #tpu.memory_space<hbm>>
      %dma_wait3A_22 = arith.constant 0 : i32
      %dma_wait3A_23 = arith.constant 0 : i32
      %dma_wait3A_24 = tpu.memref_slice %arg3[%arg0, %arg1, %dma_wait3A_22, %dma_wait3A_23] : memref<2x16x250x80xi32, #tpu.memory_space<hbm>> -> memref<1x1x250x80xi32, #tpu.memory_space<hbm>>
      %dma_wait3A_25 = tpu.memref_squeeze %dma_wait3A_24 : memref<1x1x250x80xi32, #tpu.memory_space<hbm>> -> memref<250x80xi32, #tpu.memory_space<hbm>>
      tpu.wait_dma2 semaphore(%run_scoped3A : memref<!tpu.dma_semaphore, #tpu.memory_space<semaphore_mem>>) src(%dma_wait3A_25 : memref<250x80xi32, #tpu.memory_space<hbm>>) dst(%arg6 : memref<250x80xi32, #tpu.memory_space<vmem>>)
      tpu.yield
    }) : () -> ()
    %mul3A = arith.constant 640 : i32
    %mul3A_0 = arith.muli %arg1, %mul3A : i32
    %mul3A_1 = arith.constant 640 : i32
    %mul3A_2 = arith.muli %arg1, %mul3A_1 : i32
    "tpu.region"() ({
      %run_scoped3A = tpu.sem_alloc : memref<!tpu.dma_semaphore, #tpu.memory_space<semaphore_mem>>
      %dma_start3A = arith.constant 0 : i32
      %dma_start3A_12 = tpu.memref_slice %arg8[%mul3A_2, %dma_start3A] : memref<10240x128xf32, #tpu.memory_space<vmem_shared>> -> memref<640x128xf32, #tpu.memory_space<vmem_shared>>
      %dma_start3A_13 = arith.constant 0 : i32
      %dma_start3A_14 = tpu.memref_slice %arg4[%mul3A_0, %dma_start3A_13] : memref<10240x128xf32, #tpu.memory_space<hbm>> -> memref<640x128xf32, #tpu.memory_space<hbm>>
      tpu.enqueue_dma source(%dma_start3A_14 : memref<640x128xf32, #tpu.memory_space<hbm>>) target(%dma_start3A_12 : memref<640x128xf32, #tpu.memory_space<vmem_shared>>) target_semaphore(%run_scoped3A : memref<!tpu.dma_semaphore, #tpu.memory_space<semaphore_mem>>)
      %dma_wait3A = arith.constant 0 : i32
      %dma_wait3A_15 = tpu.memref_slice %arg8[%mul3A_2, %dma_wait3A] : memref<10240x128xf32, #tpu.memory_space<vmem_shared>> -> memref<640x128xf32, #tpu.memory_space<vmem_shared>>
      %dma_wait3A_16 = arith.constant 0 : i32
      %dma_wait3A_17 = tpu.memref_slice %arg4[%mul3A_0, %dma_wait3A_16] : memref<10240x128xf32, #tpu.memory_space<hbm>> -> memref<640x128xf32, #tpu.memory_space<hbm>>
      tpu.wait_dma2 semaphore(%run_scoped3A : memref<!tpu.dma_semaphore, #tpu.memory_space<semaphore_mem>>) src(%dma_wait3A_17 : memref<640x128xf32, #tpu.memory_space<hbm>>) dst(%dma_wait3A_15 : memref<640x128xf32, #tpu.memory_space<vmem_shared>>)
      tpu.yield
    }) : () -> ()
    %barrier3A = arith.constant 0 : index
    tpu.barrier barrier_id(%barrier3A)
    %scan3A = arith.constant 0 : i32
    %scan3A_3 = arith.constant 250 : i32
    %scan3A_4 = arith.addi %scan3A, %scan3A_3 : i32
    %scan3A_5 = arith.constant 1 : i32
    scf.for %scan3A_12 = %scan3A to %scan3A_4 step %scan3A_5  : i32 {
      %mul3A_13 = arith.constant 20000 : i32
      %mul3A_14 = arith.muli %arg1, %mul3A_13 : i32
      %mul3A_15 = arith.constant 80 : i32
      %mul3A_16 = arith.muli %scan3A_12, %mul3A_15 : i32
      %add3A = arith.addi %mul3A_14, %mul3A_16 : i32
      "tpu.region"() ({
        %run_scoped3A = tpu.sem_alloc : memref<!tpu.dma_semaphore, #tpu.memory_space<semaphore_mem>>
        %dma_start3A = arith.constant 0 : i32
        %dma_start3A_17 = tpu.memref_slice %arg2[%add3A, %dma_start3A] : memref<320000x128xf32, #tpu.memory_space<hbm>> -> memref<80x128xf32, #tpu.memory_space<hbm>>
        %dma_start3A_18 = arith.constant 0 : i32
        %dma_start3A_19 = tpu.memref_slice %arg2[%add3A, %dma_start3A_18] : memref<320000x128xf32, #tpu.memory_space<hbm>> -> memref<80x128xf32, #tpu.memory_space<hbm>>
        tpu.enqueue_dma source(%dma_start3A_19 : memref<80x128xf32, #tpu.memory_space<hbm>>) target(%arg7 : memref<80x128xf32, #tpu.memory_space<vmem>>) target_semaphore(%run_scoped3A : memref<!tpu.dma_semaphore, #tpu.memory_space<semaphore_mem>>)
        %dma_wait3A = arith.constant 0 : i32
        %dma_wait3A_20 = tpu.memref_slice %arg2[%add3A, %dma_wait3A] : memref<320000x128xf32, #tpu.memory_space<hbm>> -> memref<80x128xf32, #tpu.memory_space<hbm>>
        %dma_wait3A_21 = arith.constant 0 : i32
        %dma_wait3A_22 = tpu.memref_slice %arg2[%add3A, %dma_wait3A_21] : memref<320000x128xf32, #tpu.memory_space<hbm>> -> memref<80x128xf32, #tpu.memory_space<hbm>>
        tpu.wait_dma2 semaphore(%run_scoped3A : memref<!tpu.dma_semaphore, #tpu.memory_space<semaphore_mem>>) src(%dma_wait3A_22 : memref<80x128xf32, #tpu.memory_space<hbm>>) dst(%arg7 : memref<80x128xf32, #tpu.memory_space<vmem>>)
        tpu.yield
      }) : () -> ()
      "tpu.region"() ({
        %run_scoped3A = tpu.sem_alloc : memref<!tpu.dma_semaphore, #tpu.memory_space<semaphore_mem>>
        %dma_start3A = arith.constant 0 : i32
        %dma_start3A_17 = tpu.memref_slice %arg6[%scan3A_12, %dma_start3A] : memref<250x80xi32, #tpu.memory_space<vmem>> -> memref<1x80xi32, #tpu.memory_space<vmem>>
        %dma_start3A_18 = tpu.memref_squeeze %dma_start3A_17 : memref<1x80xi32, #tpu.memory_space<vmem>> -> memref<80xi32, #tpu.memory_space<vmem>>
        %dma_start3A_19 = arith.constant 0 : i32
        %dma_start3A_20 = arith.constant 0 : i32
        %dma_start3A_21 = tpu.memref_slice %arg8[%dma_start3A_19, %dma_start3A_20] : memref<10240x128xf32, #tpu.memory_space<vmem_shared>> -> memref<10240x128xf32, #tpu.memory_space<vmem_shared>>
        tpu.enqueue_indirect_dma source(%arg7 : memref<80x128xf32, #tpu.memory_space<vmem>>) target(%dma_start3A_21 : memref<10240x128xf32, #tpu.memory_space<vmem_shared>>) offsets(%dma_start3A_18 : memref<80xi32, #tpu.memory_space<vmem>>) semaphore(%run_scoped3A : memref<!tpu.dma_semaphore, #tpu.memory_space<semaphore_mem>>) {add = true}
        %dma_wait3A = arith.constant 0 : i32
        %dma_wait3A_22 = tpu.memref_slice %arg6[%scan3A_12, %dma_wait3A] : memref<250x80xi32, #tpu.memory_space<vmem>> -> memref<1x80xi32, #tpu.memory_space<vmem>>
        %dma_wait3A_23 = tpu.memref_squeeze %dma_wait3A_22 : memref<1x80xi32, #tpu.memory_space<vmem>> -> memref<80xi32, #tpu.memory_space<vmem>>
        %dma_wait3A_24 = arith.constant 0 : i32
        %dma_wait3A_25 = arith.constant 0 : i32
        %dma_wait3A_26 = tpu.memref_slice %arg8[%dma_wait3A_24, %dma_wait3A_25] : memref<10240x128xf32, #tpu.memory_space<vmem_shared>> -> memref<10240x128xf32, #tpu.memory_space<vmem_shared>>
        tpu.wait_indirect_dma semaphore(%run_scoped3A : memref<!tpu.dma_semaphore, #tpu.memory_space<semaphore_mem>>) src(%arg7 : memref<80x128xf32, #tpu.memory_space<vmem>>) dst(%dma_wait3A_26 : memref<10240x128xf32, #tpu.memory_space<vmem_shared>>)
        tpu.yield
      }) : () -> ()
    }
    %scan3A_6 = arith.constant 250 : i32
    %barrier3A_7 = arith.constant 0 : index
    tpu.barrier barrier_id(%barrier3A_7)
    %mul3A_8 = arith.constant 640 : i32
    %mul3A_9 = arith.muli %arg1, %mul3A_8 : i32
    %mul3A_10 = arith.constant 640 : i32
    %mul3A_11 = arith.muli %arg1, %mul3A_10 : i32
    "tpu.region"() ({
      %run_scoped3A = tpu.sem_alloc : memref<!tpu.dma_semaphore, #tpu.memory_space<semaphore_mem>>
      %dma_start3A = arith.constant 0 : i32
      %dma_start3A_12 = tpu.memref_slice %arg5[%arg0, %mul3A_11, %dma_start3A] : memref<2x10240x128xf32, #tpu.memory_space<hbm>> -> memref<1x640x128xf32, #tpu.memory_space<hbm>>
      %dma_start3A_13 = tpu.memref_squeeze %dma_start3A_12 : memref<1x640x128xf32, #tpu.memory_space<hbm>> -> memref<640x128xf32, #tpu.memory_space<hbm>>
      %dma_start3A_14 = arith.constant 0 : i32
      %dma_start3A_15 = tpu.memref_slice %arg8[%mul3A_9, %dma_start3A_14] : memref<10240x128xf32, #tpu.memory_space<vmem_shared>> -> memref<640x128xf32, #tpu.memory_space<vmem_shared>>
      tpu.enqueue_dma source(%dma_start3A_15 : memref<640x128xf32, #tpu.memory_space<vmem_shared>>) target(%dma_start3A_13 : memref<640x128xf32, #tpu.memory_space<hbm>>) target_semaphore(%run_scoped3A : memref<!tpu.dma_semaphore, #tpu.memory_space<semaphore_mem>>)
      %dma_wait3A = arith.constant 0 : i32
      %dma_wait3A_16 = tpu.memref_slice %arg5[%arg0, %mul3A_11, %dma_wait3A] : memref<2x10240x128xf32, #tpu.memory_space<hbm>> -> memref<1x640x128xf32, #tpu.memory_space<hbm>>
      %dma_wait3A_17 = tpu.memref_squeeze %dma_wait3A_16 : memref<1x640x128xf32, #tpu.memory_space<hbm>> -> memref<640x128xf32, #tpu.memory_space<hbm>>
      %dma_wait3A_18 = arith.constant 0 : i32
      %dma_wait3A_19 = tpu.memref_slice %arg8[%mul3A_9, %dma_wait3A_18] : memref<10240x128xf32, #tpu.memory_space<vmem_shared>> -> memref<640x128xf32, #tpu.memory_space<vmem_shared>>
      tpu.wait_dma2 semaphore(%run_scoped3A : memref<!tpu.dma_semaphore, #tpu.memory_space<semaphore_mem>>) src(%dma_wait3A_19 : memref<640x128xf32, #tpu.memory_space<vmem_shared>>) dst(%dma_wait3A_17 : memref<640x128xf32, #tpu.memory_space<hbm>>)
      tpu.yield
    }) : () -> ()
    return
  }
}

#map = affine_map<(d0, d1) -> (0, 0, 0)>
#map1 = affine_map<(d0, d1) -> (0, 0)>
module attributes {stable_mosaic.version = 14 : i64} {
  func.func @_tok_gather(%arg0: i32, %arg1: i32, %arg2: memref<32x4x80xi32, #tpu.memory_space<hbm>>, %arg3: memref<100000x128xf32, #tpu.memory_space<hbm>>, %arg4: memref<10240x128xf32, #tpu.memory_space<hbm>>, %arg5: memref<4x80xi32, #tpu.memory_space<vmem>>, %arg6: memref<80x128xf32, #tpu.memory_space<vmem>>, %arg7: memref<!tpu.dma_semaphore, #tpu.memory_space<semaphore_mem>>) attributes {dimension_semantics = [#tpu.dimension_semantics<core_parallel>, #tpu.dimension_semantics<subcore_parallel>], iteration_bounds = array<i64: 2, 16>, scalar_prefetch = 0 : i64, scratch_operands = 3 : i64, tpu.core_type = #tpu.core_type<sc_vector_subcore>, window_params = [{transform_indices = #map}, {transform_indices = #map1}, {transform_indices = #map1}]} {
    %mul3A = arith.constant 16 : i32
    %mul3A_0 = arith.muli %arg0, %mul3A : i32
    %add3A = arith.addi %mul3A_0, %arg1 : i32
    "tpu.region"() ({
      %run_scoped3A = tpu.sem_alloc : memref<!tpu.dma_semaphore, #tpu.memory_space<semaphore_mem>>
      %dma_start3A = arith.constant 0 : i32
      %dma_start3A_5 = arith.constant 0 : i32
      %dma_start3A_6 = tpu.memref_slice %arg2[%add3A, %dma_start3A, %dma_start3A_5] : memref<32x4x80xi32, #tpu.memory_space<hbm>> -> memref<1x4x80xi32, #tpu.memory_space<hbm>>
      %dma_start3A_7 = tpu.memref_squeeze %dma_start3A_6 : memref<1x4x80xi32, #tpu.memory_space<hbm>> -> memref<4x80xi32, #tpu.memory_space<hbm>>
      %dma_start3A_8 = arith.constant 0 : i32
      %dma_start3A_9 = arith.constant 0 : i32
      %dma_start3A_10 = tpu.memref_slice %arg2[%add3A, %dma_start3A_8, %dma_start3A_9] : memref<32x4x80xi32, #tpu.memory_space<hbm>> -> memref<1x4x80xi32, #tpu.memory_space<hbm>>
      %dma_start3A_11 = tpu.memref_squeeze %dma_start3A_10 : memref<1x4x80xi32, #tpu.memory_space<hbm>> -> memref<4x80xi32, #tpu.memory_space<hbm>>
      tpu.enqueue_dma source(%dma_start3A_11 : memref<4x80xi32, #tpu.memory_space<hbm>>) target(%arg5 : memref<4x80xi32, #tpu.memory_space<vmem>>) target_semaphore(%run_scoped3A : memref<!tpu.dma_semaphore, #tpu.memory_space<semaphore_mem>>)
      %dma_wait3A = arith.constant 0 : i32
      %dma_wait3A_12 = arith.constant 0 : i32
      %dma_wait3A_13 = tpu.memref_slice %arg2[%add3A, %dma_wait3A, %dma_wait3A_12] : memref<32x4x80xi32, #tpu.memory_space<hbm>> -> memref<1x4x80xi32, #tpu.memory_space<hbm>>
      %dma_wait3A_14 = tpu.memref_squeeze %dma_wait3A_13 : memref<1x4x80xi32, #tpu.memory_space<hbm>> -> memref<4x80xi32, #tpu.memory_space<hbm>>
      %dma_wait3A_15 = arith.constant 0 : i32
      %dma_wait3A_16 = arith.constant 0 : i32
      %dma_wait3A_17 = tpu.memref_slice %arg2[%add3A, %dma_wait3A_15, %dma_wait3A_16] : memref<32x4x80xi32, #tpu.memory_space<hbm>> -> memref<1x4x80xi32, #tpu.memory_space<hbm>>
      %dma_wait3A_18 = tpu.memref_squeeze %dma_wait3A_17 : memref<1x4x80xi32, #tpu.memory_space<hbm>> -> memref<4x80xi32, #tpu.memory_space<hbm>>
      tpu.wait_dma2 semaphore(%run_scoped3A : memref<!tpu.dma_semaphore, #tpu.memory_space<semaphore_mem>>) src(%dma_wait3A_18 : memref<4x80xi32, #tpu.memory_space<hbm>>) dst(%arg5 : memref<4x80xi32, #tpu.memory_space<vmem>>)
      tpu.yield
    }) : () -> ()
    %scan3A = arith.constant 0 : i32
    %scan3A_1 = arith.constant 4 : i32
    %scan3A_2 = arith.addi %scan3A, %scan3A_1 : i32
    %scan3A_3 = arith.constant 1 : i32
    scf.for %scan3A_5 = %scan3A to %scan3A_2 step %scan3A_3  : i32 {
      %dma_start3A = arith.constant 0 : i32
      %dma_start3A_6 = tpu.memref_slice %arg5[%scan3A_5, %dma_start3A] : memref<4x80xi32, #tpu.memory_space<vmem>> -> memref<1x80xi32, #tpu.memory_space<vmem>>
      %dma_start3A_7 = tpu.memref_squeeze %dma_start3A_6 : memref<1x80xi32, #tpu.memory_space<vmem>> -> memref<80xi32, #tpu.memory_space<vmem>>
      %dma_start3A_8 = arith.constant 0 : i32
      %dma_start3A_9 = arith.constant 0 : i32
      %dma_start3A_10 = tpu.memref_slice %arg3[%dma_start3A_8, %dma_start3A_9] : memref<100000x128xf32, #tpu.memory_space<hbm>> -> memref<100000x128xf32, #tpu.memory_space<hbm>>
      tpu.enqueue_indirect_dma source(%dma_start3A_10 : memref<100000x128xf32, #tpu.memory_space<hbm>>) target(%arg6 : memref<80x128xf32, #tpu.memory_space<vmem>>) offsets(%dma_start3A_7 : memref<80xi32, #tpu.memory_space<vmem>>) semaphore(%arg7 : memref<!tpu.dma_semaphore, #tpu.memory_space<semaphore_mem>>)
      %dma_wait3A = arith.constant 0 : i32
      %dma_wait3A_11 = tpu.memref_slice %arg5[%scan3A_5, %dma_wait3A] : memref<4x80xi32, #tpu.memory_space<vmem>> -> memref<1x80xi32, #tpu.memory_space<vmem>>
      %dma_wait3A_12 = tpu.memref_squeeze %dma_wait3A_11 : memref<1x80xi32, #tpu.memory_space<vmem>> -> memref<80xi32, #tpu.memory_space<vmem>>
      %dma_wait3A_13 = arith.constant 0 : i32
      %dma_wait3A_14 = arith.constant 0 : i32
      %dma_wait3A_15 = tpu.memref_slice %arg3[%dma_wait3A_13, %dma_wait3A_14] : memref<100000x128xf32, #tpu.memory_space<hbm>> -> memref<100000x128xf32, #tpu.memory_space<hbm>>
      tpu.wait_indirect_dma semaphore(%arg7 : memref<!tpu.dma_semaphore, #tpu.memory_space<semaphore_mem>>) src(%dma_wait3A_15 : memref<100000x128xf32, #tpu.memory_space<hbm>>) dst(%arg6 : memref<80x128xf32, #tpu.memory_space<vmem>>)
      %mul3A_16 = arith.constant 320 : i32
      %mul3A_17 = arith.muli %add3A, %mul3A_16 : i32
      %mul3A_18 = arith.constant 80 : i32
      %mul3A_19 = arith.muli %scan3A_5, %mul3A_18 : i32
      %add3A_20 = arith.addi %mul3A_17, %mul3A_19 : i32
      "tpu.region"() ({
        %run_scoped3A = tpu.sem_alloc : memref<!tpu.dma_semaphore, #tpu.memory_space<semaphore_mem>>
        %dma_start3A_21 = arith.constant 0 : i32
        %dma_start3A_22 = tpu.memref_slice %arg4[%add3A_20, %dma_start3A_21] : memref<10240x128xf32, #tpu.memory_space<hbm>> -> memref<80x128xf32, #tpu.memory_space<hbm>>
        %dma_start3A_23 = arith.constant 0 : i32
        %dma_start3A_24 = tpu.memref_slice %arg4[%add3A_20, %dma_start3A_23] : memref<10240x128xf32, #tpu.memory_space<hbm>> -> memref<80x128xf32, #tpu.memory_space<hbm>>
        tpu.enqueue_dma source(%arg6 : memref<80x128xf32, #tpu.memory_space<vmem>>) target(%dma_start3A_24 : memref<80x128xf32, #tpu.memory_space<hbm>>) target_semaphore(%run_scoped3A : memref<!tpu.dma_semaphore, #tpu.memory_space<semaphore_mem>>)
        %dma_wait3A_25 = arith.constant 0 : i32
        %dma_wait3A_26 = tpu.memref_slice %arg4[%add3A_20, %dma_wait3A_25] : memref<10240x128xf32, #tpu.memory_space<hbm>> -> memref<80x128xf32, #tpu.memory_space<hbm>>
        %dma_wait3A_27 = arith.constant 0 : i32
        %dma_wait3A_28 = tpu.memref_slice %arg4[%add3A_20, %dma_wait3A_27] : memref<10240x128xf32, #tpu.memory_space<hbm>> -> memref<80x128xf32, #tpu.memory_space<hbm>>
        tpu.wait_dma2 semaphore(%run_scoped3A : memref<!tpu.dma_semaphore, #tpu.memory_space<semaphore_mem>>) src(%arg6 : memref<80x128xf32, #tpu.memory_space<vmem>>) dst(%dma_wait3A_28 : memref<80x128xf32, #tpu.memory_space<hbm>>)
        tpu.yield
      }) : () -> ()
    }
    %scan3A_4 = arith.constant 4 : i32
    return
  }
}

#map = affine_map<(d0, d1) -> (0, 0)>
#map1 = affine_map<(d0, d1) -> (0, 0, 0, 0, 0)>
#map2 = affine_map<(d0, d1) -> (0, 0, 0)>
module attributes {stable_mosaic.version = 14 : i64} {
  func.func @_h_sums(%arg0: i32, %arg1: i32, %arg2: memref<10240x128xf32, #tpu.memory_space<hbm>>, %arg3: memref<2x16x10x25x80xi32, #tpu.memory_space<hbm>>, %arg4: memref<2x16x10x25x80xi32, #tpu.memory_space<hbm>>, %arg5: memref<10240x128xf32, #tpu.memory_space<hbm>>, %arg6: memref<2x10240x128xf32, #tpu.memory_space<hbm>>, %arg7: memref<25x80xi32, #tpu.memory_space<vmem>>, %arg8: memref<25x80xi32, #tpu.memory_space<vmem>>, %arg9: memref<80x128xf32, #tpu.memory_space<vmem>>, %arg10: memref<10240x128xf32, #tpu.memory_space<vmem_shared>>, %arg11: memref<!tpu.dma_semaphore, #tpu.memory_space<semaphore_mem>>) attributes {dimension_semantics = [#tpu.dimension_semantics<core_parallel>, #tpu.dimension_semantics<subcore_parallel>], iteration_bounds = array<i64: 2, 16>, scalar_prefetch = 0 : i64, scratch_operands = 5 : i64, tpu.core_type = #tpu.core_type<sc_vector_subcore>, window_params = [{transform_indices = #map}, {transform_indices = #map1}, {transform_indices = #map1}, {transform_indices = #map}, {transform_indices = #map2}]} {
    %mul3A = arith.constant 640 : i32
    %mul3A_0 = arith.muli %arg1, %mul3A : i32
    %mul3A_1 = arith.constant 640 : i32
    %mul3A_2 = arith.muli %arg1, %mul3A_1 : i32
    "tpu.region"() ({
      %run_scoped3A = tpu.sem_alloc : memref<!tpu.dma_semaphore, #tpu.memory_space<semaphore_mem>>
      %dma_start3A = arith.constant 0 : i32
      %dma_start3A_12 = tpu.memref_slice %arg10[%mul3A_2, %dma_start3A] : memref<10240x128xf32, #tpu.memory_space<vmem_shared>> -> memref<640x128xf32, #tpu.memory_space<vmem_shared>>
      %dma_start3A_13 = arith.constant 0 : i32
      %dma_start3A_14 = tpu.memref_slice %arg5[%mul3A_0, %dma_start3A_13] : memref<10240x128xf32, #tpu.memory_space<hbm>> -> memref<640x128xf32, #tpu.memory_space<hbm>>
      tpu.enqueue_dma source(%dma_start3A_14 : memref<640x128xf32, #tpu.memory_space<hbm>>) target(%dma_start3A_12 : memref<640x128xf32, #tpu.memory_space<vmem_shared>>) target_semaphore(%run_scoped3A : memref<!tpu.dma_semaphore, #tpu.memory_space<semaphore_mem>>)
      %dma_wait3A = arith.constant 0 : i32
      %dma_wait3A_15 = tpu.memref_slice %arg10[%mul3A_2, %dma_wait3A] : memref<10240x128xf32, #tpu.memory_space<vmem_shared>> -> memref<640x128xf32, #tpu.memory_space<vmem_shared>>
      %dma_wait3A_16 = arith.constant 0 : i32
      %dma_wait3A_17 = tpu.memref_slice %arg5[%mul3A_0, %dma_wait3A_16] : memref<10240x128xf32, #tpu.memory_space<hbm>> -> memref<640x128xf32, #tpu.memory_space<hbm>>
      tpu.wait_dma2 semaphore(%run_scoped3A : memref<!tpu.dma_semaphore, #tpu.memory_space<semaphore_mem>>) src(%dma_wait3A_17 : memref<640x128xf32, #tpu.memory_space<hbm>>) dst(%dma_wait3A_15 : memref<640x128xf32, #tpu.memory_space<vmem_shared>>)
      tpu.yield
    }) : () -> ()
    %barrier3A = arith.constant 0 : index
    tpu.barrier barrier_id(%barrier3A)
    %scan3A = arith.constant 0 : i32
    %scan3A_3 = arith.constant 10 : i32
    %scan3A_4 = arith.addi %scan3A, %scan3A_3 : i32
    %scan3A_5 = arith.constant 1 : i32
    scf.for %scan3A_12 = %scan3A to %scan3A_4 step %scan3A_5  : i32 {
      "tpu.region"() ({
        %run_scoped3A = tpu.sem_alloc : memref<!tpu.dma_semaphore, #tpu.memory_space<semaphore_mem>>
        %dma_start3A = arith.constant 0 : i32
        %dma_start3A_18 = arith.constant 0 : i32
        %dma_start3A_19 = tpu.memref_slice %arg3[%arg0, %arg1, %scan3A_12, %dma_start3A, %dma_start3A_18] : memref<2x16x10x25x80xi32, #tpu.memory_space<hbm>> -> memref<1x1x1x25x80xi32, #tpu.memory_space<hbm>>
        %dma_start3A_20 = tpu.memref_squeeze %dma_start3A_19 : memref<1x1x1x25x80xi32, #tpu.memory_space<hbm>> -> memref<25x80xi32, #tpu.memory_space<hbm>>
        %dma_start3A_21 = arith.constant 0 : i32
        %dma_start3A_22 = arith.constant 0 : i32
        %dma_start3A_23 = tpu.memref_slice %arg3[%arg0, %arg1, %scan3A_12, %dma_start3A_21, %dma_start3A_22] : memref<2x16x10x25x80xi32, #tpu.memory_space<hbm>> -> memref<1x1x1x25x80xi32, #tpu.memory_space<hbm>>
        %dma_start3A_24 = tpu.memref_squeeze %dma_start3A_23 : memref<1x1x1x25x80xi32, #tpu.memory_space<hbm>> -> memref<25x80xi32, #tpu.memory_space<hbm>>
        tpu.enqueue_dma source(%dma_start3A_24 : memref<25x80xi32, #tpu.memory_space<hbm>>) target(%arg7 : memref<25x80xi32, #tpu.memory_space<vmem>>) target_semaphore(%run_scoped3A : memref<!tpu.dma_semaphore, #tpu.memory_space<semaphore_mem>>)
        %dma_wait3A = arith.constant 0 : i32
        %dma_wait3A_25 = arith.constant 0 : i32
        %dma_wait3A_26 = tpu.memref_slice %arg3[%arg0, %arg1, %scan3A_12, %dma_wait3A, %dma_wait3A_25] : memref<2x16x10x25x80xi32, #tpu.memory_space<hbm>> -> memref<1x1x1x25x80xi32, #tpu.memory_space<hbm>>
        %dma_wait3A_27 = tpu.memref_squeeze %dma_wait3A_26 : memref<1x1x1x25x80xi32, #tpu.memory_space<hbm>> -> memref<25x80xi32, #tpu.memory_space<hbm>>
        %dma_wait3A_28 = arith.constant 0 : i32
        %dma_wait3A_29 = arith.constant 0 : i32
        %dma_wait3A_30 = tpu.memref_slice %arg3[%arg0, %arg1, %scan3A_12, %dma_wait3A_28, %dma_wait3A_29] : memref<2x16x10x25x80xi32, #tpu.memory_space<hbm>> -> memref<1x1x1x25x80xi32, #tpu.memory_space<hbm>>
        %dma_wait3A_31 = tpu.memref_squeeze %dma_wait3A_30 : memref<1x1x1x25x80xi32, #tpu.memory_space<hbm>> -> memref<25x80xi32, #tpu.memory_space<hbm>>
        tpu.wait_dma2 semaphore(%run_scoped3A : memref<!tpu.dma_semaphore, #tpu.memory_space<semaphore_mem>>) src(%dma_wait3A_31 : memref<25x80xi32, #tpu.memory_space<hbm>>) dst(%arg7 : memref<25x80xi32, #tpu.memory_space<vmem>>)
        tpu.yield
      }) : () -> ()
      "tpu.region"() ({
        %run_scoped3A = tpu.sem_alloc : memref<!tpu.dma_semaphore, #tpu.memory_space<semaphore_mem>>
        %dma_start3A = arith.constant 0 : i32
        %dma_start3A_18 = arith.constant 0 : i32
        %dma_start3A_19 = tpu.memref_slice %arg4[%arg0, %arg1, %scan3A_12, %dma_start3A, %dma_start3A_18] : memref<2x16x10x25x80xi32, #tpu.memory_space<hbm>> -> memref<1x1x1x25x80xi32, #tpu.memory_space<hbm>>
        %dma_start3A_20 = tpu.memref_squeeze %dma_start3A_19 : memref<1x1x1x25x80xi32, #tpu.memory_space<hbm>> -> memref<25x80xi32, #tpu.memory_space<hbm>>
        %dma_start3A_21 = arith.constant 0 : i32
        %dma_start3A_22 = arith.constant 0 : i32
        %dma_start3A_23 = tpu.memref_slice %arg4[%arg0, %arg1, %scan3A_12, %dma_start3A_21, %dma_start3A_22] : memref<2x16x10x25x80xi32, #tpu.memory_space<hbm>> -> memref<1x1x1x25x80xi32, #tpu.memory_space<hbm>>
        %dma_start3A_24 = tpu.memref_squeeze %dma_start3A_23 : memref<1x1x1x25x80xi32, #tpu.memory_space<hbm>> -> memref<25x80xi32, #tpu.memory_space<hbm>>
        tpu.enqueue_dma source(%dma_start3A_24 : memref<25x80xi32, #tpu.memory_space<hbm>>) target(%arg8 : memref<25x80xi32, #tpu.memory_space<vmem>>) target_semaphore(%run_scoped3A : memref<!tpu.dma_semaphore, #tpu.memory_space<semaphore_mem>>)
        %dma_wait3A = arith.constant 0 : i32
        %dma_wait3A_25 = arith.constant 0 : i32
        %dma_wait3A_26 = tpu.memref_slice %arg4[%arg0, %arg1, %scan3A_12, %dma_wait3A, %dma_wait3A_25] : memref<2x16x10x25x80xi32, #tpu.memory_space<hbm>> -> memref<1x1x1x25x80xi32, #tpu.memory_space<hbm>>
        %dma_wait3A_27 = tpu.memref_squeeze %dma_wait3A_26 : memref<1x1x1x25x80xi32, #tpu.memory_space<hbm>> -> memref<25x80xi32, #tpu.memory_space<hbm>>
        %dma_wait3A_28 = arith.constant 0 : i32
        %dma_wait3A_29 = arith.constant 0 : i32
        %dma_wait3A_30 = tpu.memref_slice %arg4[%arg0, %arg1, %scan3A_12, %dma_wait3A_28, %dma_wait3A_29] : memref<2x16x10x25x80xi32, #tpu.memory_space<hbm>> -> memref<1x1x1x25x80xi32, #tpu.memory_space<hbm>>
        %dma_wait3A_31 = tpu.memref_squeeze %dma_wait3A_30 : memref<1x1x1x25x80xi32, #tpu.memory_space<hbm>> -> memref<25x80xi32, #tpu.memory_space<hbm>>
        tpu.wait_dma2 semaphore(%run_scoped3A : memref<!tpu.dma_semaphore, #tpu.memory_space<semaphore_mem>>) src(%dma_wait3A_31 : memref<25x80xi32, #tpu.memory_space<hbm>>) dst(%arg8 : memref<25x80xi32, #tpu.memory_space<vmem>>)
        tpu.yield
      }) : () -> ()
      %scan3A_13 = arith.constant 0 : i32
      %scan3A_14 = arith.constant 25 : i32
      %scan3A_15 = arith.addi %scan3A_13, %scan3A_14 : i32
      %scan3A_16 = arith.constant 1 : i32
      scf.for %scan3A_18 = %scan3A_13 to %scan3A_15 step %scan3A_16  : i32 {
        %dma_start3A = arith.constant 0 : i32
        %dma_start3A_19 = tpu.memref_slice %arg7[%scan3A_18, %dma_start3A] : memref<25x80xi32, #tpu.memory_space<vmem>> -> memref<1x80xi32, #tpu.memory_space<vmem>>
        %dma_start3A_20 = tpu.memref_squeeze %dma_start3A_19 : memref<1x80xi32, #tpu.memory_space<vmem>> -> memref<80xi32, #tpu.memory_space<vmem>>
        %dma_start3A_21 = arith.constant 0 : i32
        %dma_start3A_22 = arith.constant 0 : i32
        %dma_start3A_23 = tpu.memref_slice %arg2[%dma_start3A_21, %dma_start3A_22] : memref<10240x128xf32, #tpu.memory_space<hbm>> -> memref<10240x128xf32, #tpu.memory_space<hbm>>
        tpu.enqueue_indirect_dma source(%dma_start3A_23 : memref<10240x128xf32, #tpu.memory_space<hbm>>) target(%arg9 : memref<80x128xf32, #tpu.memory_space<vmem>>) offsets(%dma_start3A_20 : memref<80xi32, #tpu.memory_space<vmem>>) semaphore(%arg11 : memref<!tpu.dma_semaphore, #tpu.memory_space<semaphore_mem>>)
        %dma_wait3A = arith.constant 0 : i32
        %dma_wait3A_24 = tpu.memref_slice %arg7[%scan3A_18, %dma_wait3A] : memref<25x80xi32, #tpu.memory_space<vmem>> -> memref<1x80xi32, #tpu.memory_space<vmem>>
        %dma_wait3A_25 = tpu.memref_squeeze %dma_wait3A_24 : memref<1x80xi32, #tpu.memory_space<vmem>> -> memref<80xi32, #tpu.memory_space<vmem>>
        %dma_wait3A_26 = arith.constant 0 : i32
        %dma_wait3A_27 = arith.constant 0 : i32
        %dma_wait3A_28 = tpu.memref_slice %arg2[%dma_wait3A_26, %dma_wait3A_27] : memref<10240x128xf32, #tpu.memory_space<hbm>> -> memref<10240x128xf32, #tpu.memory_space<hbm>>
        tpu.wait_indirect_dma semaphore(%arg11 : memref<!tpu.dma_semaphore, #tpu.memory_space<semaphore_mem>>) src(%dma_wait3A_28 : memref<10240x128xf32, #tpu.memory_space<hbm>>) dst(%arg9 : memref<80x128xf32, #tpu.memory_space<vmem>>)
        "tpu.region"() ({
          %run_scoped3A = tpu.sem_alloc : memref<!tpu.dma_semaphore, #tpu.memory_space<semaphore_mem>>
          %dma_start3A_29 = arith.constant 0 : i32
          %dma_start3A_30 = tpu.memref_slice %arg8[%scan3A_18, %dma_start3A_29] : memref<25x80xi32, #tpu.memory_space<vmem>> -> memref<1x80xi32, #tpu.memory_space<vmem>>
          %dma_start3A_31 = tpu.memref_squeeze %dma_start3A_30 : memref<1x80xi32, #tpu.memory_space<vmem>> -> memref<80xi32, #tpu.memory_space<vmem>>
          %dma_start3A_32 = arith.constant 0 : i32
          %dma_start3A_33 = arith.constant 0 : i32
          %dma_start3A_34 = tpu.memref_slice %arg10[%dma_start3A_32, %dma_start3A_33] : memref<10240x128xf32, #tpu.memory_space<vmem_shared>> -> memref<10240x128xf32, #tpu.memory_space<vmem_shared>>
          tpu.enqueue_indirect_dma source(%arg9 : memref<80x128xf32, #tpu.memory_space<vmem>>) target(%dma_start3A_34 : memref<10240x128xf32, #tpu.memory_space<vmem_shared>>) offsets(%dma_start3A_31 : memref<80xi32, #tpu.memory_space<vmem>>) semaphore(%run_scoped3A : memref<!tpu.dma_semaphore, #tpu.memory_space<semaphore_mem>>) {add = true}
          %dma_wait3A_35 = arith.constant 0 : i32
          %dma_wait3A_36 = tpu.memref_slice %arg8[%scan3A_18, %dma_wait3A_35] : memref<25x80xi32, #tpu.memory_space<vmem>> -> memref<1x80xi32, #tpu.memory_space<vmem>>
          %dma_wait3A_37 = tpu.memref_squeeze %dma_wait3A_36 : memref<1x80xi32, #tpu.memory_space<vmem>> -> memref<80xi32, #tpu.memory_space<vmem>>
          %dma_wait3A_38 = arith.constant 0 : i32
          %dma_wait3A_39 = arith.constant 0 : i32
          %dma_wait3A_40 = tpu.memref_slice %arg10[%dma_wait3A_38, %dma_wait3A_39] : memref<10240x128xf32, #tpu.memory_space<vmem_shared>> -> memref<10240x128xf32, #tpu.memory_space<vmem_shared>>
          tpu.wait_indirect_dma semaphore(%run_scoped3A : memref<!tpu.dma_semaphore, #tpu.memory_space<semaphore_mem>>) src(%arg9 : memref<80x128xf32, #tpu.memory_space<vmem>>) dst(%dma_wait3A_40 : memref<10240x128xf32, #tpu.memory_space<vmem_shared>>)
          tpu.yield
        }) : () -> ()
      }
      %scan3A_17 = arith.constant 25 : i32
    }
    %scan3A_6 = arith.constant 10 : i32
    %barrier3A_7 = arith.constant 0 : index
    tpu.barrier barrier_id(%barrier3A_7)
    %mul3A_8 = arith.constant 640 : i32
    %mul3A_9 = arith.muli %arg1, %mul3A_8 : i32
    %mul3A_10 = arith.constant 640 : i32
    %mul3A_11 = arith.muli %arg1, %mul3A_10 : i32
    "tpu.region"() ({
      %run_scoped3A = tpu.sem_alloc : memref<!tpu.dma_semaphore, #tpu.memory_space<semaphore_mem>>
      %dma_start3A = arith.constant 0 : i32
      %dma_start3A_12 = tpu.memref_slice %arg6[%arg0, %mul3A_11, %dma_start3A] : memref<2x10240x128xf32, #tpu.memory_space<hbm>> -> memref<1x640x128xf32, #tpu.memory_space<hbm>>
      %dma_start3A_13 = tpu.memref_squeeze %dma_start3A_12 : memref<1x640x128xf32, #tpu.memory_space<hbm>> -> memref<640x128xf32, #tpu.memory_space<hbm>>
      %dma_start3A_14 = arith.constant 0 : i32
      %dma_start3A_15 = tpu.memref_slice %arg10[%mul3A_9, %dma_start3A_14] : memref<10240x128xf32, #tpu.memory_space<vmem_shared>> -> memref<640x128xf32, #tpu.memory_space<vmem_shared>>
      tpu.enqueue_dma source(%dma_start3A_15 : memref<640x128xf32, #tpu.memory_space<vmem_shared>>) target(%dma_start3A_13 : memref<640x128xf32, #tpu.memory_space<hbm>>) target_semaphore(%run_scoped3A : memref<!tpu.dma_semaphore, #tpu.memory_space<semaphore_mem>>)
      %dma_wait3A = arith.constant 0 : i32
      %dma_wait3A_16 = tpu.memref_slice %arg6[%arg0, %mul3A_11, %dma_wait3A] : memref<2x10240x128xf32, #tpu.memory_space<hbm>> -> memref<1x640x128xf32, #tpu.memory_space<hbm>>
      %dma_wait3A_17 = tpu.memref_squeeze %dma_wait3A_16 : memref<1x640x128xf32, #tpu.memory_space<hbm>> -> memref<640x128xf32, #tpu.memory_space<hbm>>
      %dma_wait3A_18 = arith.constant 0 : i32
      %dma_wait3A_19 = tpu.memref_slice %arg10[%mul3A_9, %dma_wait3A_18] : memref<10240x128xf32, #tpu.memory_space<vmem_shared>> -> memref<640x128xf32, #tpu.memory_space<vmem_shared>>
      tpu.wait_dma2 semaphore(%run_scoped3A : memref<!tpu.dma_semaphore, #tpu.memory_space<semaphore_mem>>) src(%dma_wait3A_19 : memref<640x128xf32, #tpu.memory_space<vmem_shared>>) dst(%dma_wait3A_17 : memref<640x128xf32, #tpu.memory_space<hbm>>)
      tpu.yield
    }) : () -> ()
    return
  }
}

#map = affine_map<(d0, d1) -> (0, 0)>
#map1 = affine_map<(d0, d1) -> (0, 0, 0, 0, 0)>
#map2 = affine_map<(d0, d1) -> (0, 0, 0)>
module attributes {stable_mosaic.version = 14 : i64} {
  func.func @_h_sums(%arg0: i32, %arg1: i32, %arg2: memref<10240x128xf32, #tpu.memory_space<hbm>>, %arg3: memref<2x16x10x25x80xi32, #tpu.memory_space<hbm>>, %arg4: memref<2x16x10x25x80xi32, #tpu.memory_space<hbm>>, %arg5: memref<10240x128xf32, #tpu.memory_space<hbm>>, %arg6: memref<2x10240x128xf32, #tpu.memory_space<hbm>>, %arg7: memref<25x80xi32, #tpu.memory_space<vmem>>, %arg8: memref<25x80xi32, #tpu.memory_space<vmem>>, %arg9: memref<80x128xf32, #tpu.memory_space<vmem>>, %arg10: memref<10240x128xf32, #tpu.memory_space<vmem_shared>>, %arg11: memref<!tpu.dma_semaphore, #tpu.memory_space<semaphore_mem>>) attributes {dimension_semantics = [#tpu.dimension_semantics<core_parallel>, #tpu.dimension_semantics<subcore_parallel>], iteration_bounds = array<i64: 2, 16>, scalar_prefetch = 0 : i64, scratch_operands = 5 : i64, tpu.core_type = #tpu.core_type<sc_vector_subcore>, window_params = [{transform_indices = #map}, {transform_indices = #map1}, {transform_indices = #map1}, {transform_indices = #map}, {transform_indices = #map2}]} {
    %mul3A = arith.constant 640 : i32
    %mul3A_0 = arith.muli %arg1, %mul3A : i32
    %mul3A_1 = arith.constant 640 : i32
    %mul3A_2 = arith.muli %arg1, %mul3A_1 : i32
    "tpu.region"() ({
      %run_scoped3A = tpu.sem_alloc : memref<!tpu.dma_semaphore, #tpu.memory_space<semaphore_mem>>
      %dma_start3A = arith.constant 0 : i32
      %dma_start3A_12 = tpu.memref_slice %arg10[%mul3A_2, %dma_start3A] : memref<10240x128xf32, #tpu.memory_space<vmem_shared>> -> memref<640x128xf32, #tpu.memory_space<vmem_shared>>
      %dma_start3A_13 = arith.constant 0 : i32
      %dma_start3A_14 = tpu.memref_slice %arg5[%mul3A_0, %dma_start3A_13] : memref<10240x128xf32, #tpu.memory_space<hbm>> -> memref<640x128xf32, #tpu.memory_space<hbm>>
      tpu.enqueue_dma source(%dma_start3A_14 : memref<640x128xf32, #tpu.memory_space<hbm>>) target(%dma_start3A_12 : memref<640x128xf32, #tpu.memory_space<vmem_shared>>) target_semaphore(%run_scoped3A : memref<!tpu.dma_semaphore, #tpu.memory_space<semaphore_mem>>)
      %dma_wait3A = arith.constant 0 : i32
      %dma_wait3A_15 = tpu.memref_slice %arg10[%mul3A_2, %dma_wait3A] : memref<10240x128xf32, #tpu.memory_space<vmem_shared>> -> memref<640x128xf32, #tpu.memory_space<vmem_shared>>
      %dma_wait3A_16 = arith.constant 0 : i32
      %dma_wait3A_17 = tpu.memref_slice %arg5[%mul3A_0, %dma_wait3A_16] : memref<10240x128xf32, #tpu.memory_space<hbm>> -> memref<640x128xf32, #tpu.memory_space<hbm>>
      tpu.wait_dma2 semaphore(%run_scoped3A : memref<!tpu.dma_semaphore, #tpu.memory_space<semaphore_mem>>) src(%dma_wait3A_17 : memref<640x128xf32, #tpu.memory_space<hbm>>) dst(%dma_wait3A_15 : memref<640x128xf32, #tpu.memory_space<vmem_shared>>)
      tpu.yield
    }) : () -> ()
    %barrier3A = arith.constant 0 : index
    tpu.barrier barrier_id(%barrier3A)
    %scan3A = arith.constant 0 : i32
    %scan3A_3 = arith.constant 10 : i32
    %scan3A_4 = arith.addi %scan3A, %scan3A_3 : i32
    %scan3A_5 = arith.constant 1 : i32
    scf.for %scan3A_12 = %scan3A to %scan3A_4 step %scan3A_5  : i32 {
      "tpu.region"() ({
        %run_scoped3A = tpu.sem_alloc : memref<!tpu.dma_semaphore, #tpu.memory_space<semaphore_mem>>
        %dma_start3A = arith.constant 0 : i32
        %dma_start3A_18 = arith.constant 0 : i32
        %dma_start3A_19 = tpu.memref_slice %arg3[%arg0, %arg1, %scan3A_12, %dma_start3A, %dma_start3A_18] : memref<2x16x10x25x80xi32, #tpu.memory_space<hbm>> -> memref<1x1x1x25x80xi32, #tpu.memory_space<hbm>>
        %dma_start3A_20 = tpu.memref_squeeze %dma_start3A_19 : memref<1x1x1x25x80xi32, #tpu.memory_space<hbm>> -> memref<25x80xi32, #tpu.memory_space<hbm>>
        %dma_start3A_21 = arith.constant 0 : i32
        %dma_start3A_22 = arith.constant 0 : i32
        %dma_start3A_23 = tpu.memref_slice %arg3[%arg0, %arg1, %scan3A_12, %dma_start3A_21, %dma_start3A_22] : memref<2x16x10x25x80xi32, #tpu.memory_space<hbm>> -> memref<1x1x1x25x80xi32, #tpu.memory_space<hbm>>
        %dma_start3A_24 = tpu.memref_squeeze %dma_start3A_23 : memref<1x1x1x25x80xi32, #tpu.memory_space<hbm>> -> memref<25x80xi32, #tpu.memory_space<hbm>>
        tpu.enqueue_dma source(%dma_start3A_24 : memref<25x80xi32, #tpu.memory_space<hbm>>) target(%arg7 : memref<25x80xi32, #tpu.memory_space<vmem>>) target_semaphore(%run_scoped3A : memref<!tpu.dma_semaphore, #tpu.memory_space<semaphore_mem>>)
        %dma_wait3A = arith.constant 0 : i32
        %dma_wait3A_25 = arith.constant 0 : i32
        %dma_wait3A_26 = tpu.memref_slice %arg3[%arg0, %arg1, %scan3A_12, %dma_wait3A, %dma_wait3A_25] : memref<2x16x10x25x80xi32, #tpu.memory_space<hbm>> -> memref<1x1x1x25x80xi32, #tpu.memory_space<hbm>>
        %dma_wait3A_27 = tpu.memref_squeeze %dma_wait3A_26 : memref<1x1x1x25x80xi32, #tpu.memory_space<hbm>> -> memref<25x80xi32, #tpu.memory_space<hbm>>
        %dma_wait3A_28 = arith.constant 0 : i32
        %dma_wait3A_29 = arith.constant 0 : i32
        %dma_wait3A_30 = tpu.memref_slice %arg3[%arg0, %arg1, %scan3A_12, %dma_wait3A_28, %dma_wait3A_29] : memref<2x16x10x25x80xi32, #tpu.memory_space<hbm>> -> memref<1x1x1x25x80xi32, #tpu.memory_space<hbm>>
        %dma_wait3A_31 = tpu.memref_squeeze %dma_wait3A_30 : memref<1x1x1x25x80xi32, #tpu.memory_space<hbm>> -> memref<25x80xi32, #tpu.memory_space<hbm>>
        tpu.wait_dma2 semaphore(%run_scoped3A : memref<!tpu.dma_semaphore, #tpu.memory_space<semaphore_mem>>) src(%dma_wait3A_31 : memref<25x80xi32, #tpu.memory_space<hbm>>) dst(%arg7 : memref<25x80xi32, #tpu.memory_space<vmem>>)
        tpu.yield
      }) : () -> ()
      "tpu.region"() ({
        %run_scoped3A = tpu.sem_alloc : memref<!tpu.dma_semaphore, #tpu.memory_space<semaphore_mem>>
        %dma_start3A = arith.constant 0 : i32
        %dma_start3A_18 = arith.constant 0 : i32
        %dma_start3A_19 = tpu.memref_slice %arg4[%arg0, %arg1, %scan3A_12, %dma_start3A, %dma_start3A_18] : memref<2x16x10x25x80xi32, #tpu.memory_space<hbm>> -> memref<1x1x1x25x80xi32, #tpu.memory_space<hbm>>
        %dma_start3A_20 = tpu.memref_squeeze %dma_start3A_19 : memref<1x1x1x25x80xi32, #tpu.memory_space<hbm>> -> memref<25x80xi32, #tpu.memory_space<hbm>>
        %dma_start3A_21 = arith.constant 0 : i32
        %dma_start3A_22 = arith.constant 0 : i32
        %dma_start3A_23 = tpu.memref_slice %arg4[%arg0, %arg1, %scan3A_12, %dma_start3A_21, %dma_start3A_22] : memref<2x16x10x25x80xi32, #tpu.memory_space<hbm>> -> memref<1x1x1x25x80xi32, #tpu.memory_space<hbm>>
        %dma_start3A_24 = tpu.memref_squeeze %dma_start3A_23 : memref<1x1x1x25x80xi32, #tpu.memory_space<hbm>> -> memref<25x80xi32, #tpu.memory_space<hbm>>
        tpu.enqueue_dma source(%dma_start3A_24 : memref<25x80xi32, #tpu.memory_space<hbm>>) target(%arg8 : memref<25x80xi32, #tpu.memory_space<vmem>>) target_semaphore(%run_scoped3A : memref<!tpu.dma_semaphore, #tpu.memory_space<semaphore_mem>>)
        %dma_wait3A = arith.constant 0 : i32
        %dma_wait3A_25 = arith.constant 0 : i32
        %dma_wait3A_26 = tpu.memref_slice %arg4[%arg0, %arg1, %scan3A_12, %dma_wait3A, %dma_wait3A_25] : memref<2x16x10x25x80xi32, #tpu.memory_space<hbm>> -> memref<1x1x1x25x80xi32, #tpu.memory_space<hbm>>
        %dma_wait3A_27 = tpu.memref_squeeze %dma_wait3A_26 : memref<1x1x1x25x80xi32, #tpu.memory_space<hbm>> -> memref<25x80xi32, #tpu.memory_space<hbm>>
        %dma_wait3A_28 = arith.constant 0 : i32
        %dma_wait3A_29 = arith.constant 0 : i32
        %dma_wait3A_30 = tpu.memref_slice %arg4[%arg0, %arg1, %scan3A_12, %dma_wait3A_28, %dma_wait3A_29] : memref<2x16x10x25x80xi32, #tpu.memory_space<hbm>> -> memref<1x1x1x25x80xi32, #tpu.memory_space<hbm>>
        %dma_wait3A_31 = tpu.memref_squeeze %dma_wait3A_30 : memref<1x1x1x25x80xi32, #tpu.memory_space<hbm>> -> memref<25x80xi32, #tpu.memory_space<hbm>>
        tpu.wait_dma2 semaphore(%run_scoped3A : memref<!tpu.dma_semaphore, #tpu.memory_space<semaphore_mem>>) src(%dma_wait3A_31 : memref<25x80xi32, #tpu.memory_space<hbm>>) dst(%arg8 : memref<25x80xi32, #tpu.memory_space<vmem>>)
        tpu.yield
      }) : () -> ()
      %scan3A_13 = arith.constant 0 : i32
      %scan3A_14 = arith.constant 25 : i32
      %scan3A_15 = arith.addi %scan3A_13, %scan3A_14 : i32
      %scan3A_16 = arith.constant 1 : i32
      scf.for %scan3A_18 = %scan3A_13 to %scan3A_15 step %scan3A_16  : i32 {
        %dma_start3A = arith.constant 0 : i32
        %dma_start3A_19 = tpu.memref_slice %arg7[%scan3A_18, %dma_start3A] : memref<25x80xi32, #tpu.memory_space<vmem>> -> memref<1x80xi32, #tpu.memory_space<vmem>>
        %dma_start3A_20 = tpu.memref_squeeze %dma_start3A_19 : memref<1x80xi32, #tpu.memory_space<vmem>> -> memref<80xi32, #tpu.memory_space<vmem>>
        %dma_start3A_21 = arith.constant 0 : i32
        %dma_start3A_22 = arith.constant 0 : i32
        %dma_start3A_23 = tpu.memref_slice %arg2[%dma_start3A_21, %dma_start3A_22] : memref<10240x128xf32, #tpu.memory_space<hbm>> -> memref<10240x128xf32, #tpu.memory_space<hbm>>
        tpu.enqueue_indirect_dma source(%dma_start3A_23 : memref<10240x128xf32, #tpu.memory_space<hbm>>) target(%arg9 : memref<80x128xf32, #tpu.memory_space<vmem>>) offsets(%dma_start3A_20 : memref<80xi32, #tpu.memory_space<vmem>>) semaphore(%arg11 : memref<!tpu.dma_semaphore, #tpu.memory_space<semaphore_mem>>)
        %dma_wait3A = arith.constant 0 : i32
        %dma_wait3A_24 = tpu.memref_slice %arg7[%scan3A_18, %dma_wait3A] : memref<25x80xi32, #tpu.memory_space<vmem>> -> memref<1x80xi32, #tpu.memory_space<vmem>>
        %dma_wait3A_25 = tpu.memref_squeeze %dma_wait3A_24 : memref<1x80xi32, #tpu.memory_space<vmem>> -> memref<80xi32, #tpu.memory_space<vmem>>
        %dma_wait3A_26 = arith.constant 0 : i32
        %dma_wait3A_27 = arith.constant 0 : i32
        %dma_wait3A_28 = tpu.memref_slice %arg2[%dma_wait3A_26, %dma_wait3A_27] : memref<10240x128xf32, #tpu.memory_space<hbm>> -> memref<10240x128xf32, #tpu.memory_space<hbm>>
        tpu.wait_indirect_dma semaphore(%arg11 : memref<!tpu.dma_semaphore, #tpu.memory_space<semaphore_mem>>) src(%dma_wait3A_28 : memref<10240x128xf32, #tpu.memory_space<hbm>>) dst(%arg9 : memref<80x128xf32, #tpu.memory_space<vmem>>)
        "tpu.region"() ({
          %run_scoped3A = tpu.sem_alloc : memref<!tpu.dma_semaphore, #tpu.memory_space<semaphore_mem>>
          %dma_start3A_29 = arith.constant 0 : i32
          %dma_start3A_30 = tpu.memref_slice %arg8[%scan3A_18, %dma_start3A_29] : memref<25x80xi32, #tpu.memory_space<vmem>> -> memref<1x80xi32, #tpu.memory_space<vmem>>
          %dma_start3A_31 = tpu.memref_squeeze %dma_start3A_30 : memref<1x80xi32, #tpu.memory_space<vmem>> -> memref<80xi32, #tpu.memory_space<vmem>>
          %dma_start3A_32 = arith.constant 0 : i32
          %dma_start3A_33 = arith.constant 0 : i32
          %dma_start3A_34 = tpu.memref_slice %arg10[%dma_start3A_32, %dma_start3A_33] : memref<10240x128xf32, #tpu.memory_space<vmem_shared>> -> memref<10240x128xf32, #tpu.memory_space<vmem_shared>>
          tpu.enqueue_indirect_dma source(%arg9 : memref<80x128xf32, #tpu.memory_space<vmem>>) target(%dma_start3A_34 : memref<10240x128xf32, #tpu.memory_space<vmem_shared>>) offsets(%dma_start3A_31 : memref<80xi32, #tpu.memory_space<vmem>>) semaphore(%run_scoped3A : memref<!tpu.dma_semaphore, #tpu.memory_space<semaphore_mem>>) {add = true}
          %dma_wait3A_35 = arith.constant 0 : i32
          %dma_wait3A_36 = tpu.memref_slice %arg8[%scan3A_18, %dma_wait3A_35] : memref<25x80xi32, #tpu.memory_space<vmem>> -> memref<1x80xi32, #tpu.memory_space<vmem>>
          %dma_wait3A_37 = tpu.memref_squeeze %dma_wait3A_36 : memref<1x80xi32, #tpu.memory_space<vmem>> -> memref<80xi32, #tpu.memory_space<vmem>>
          %dma_wait3A_38 = arith.constant 0 : i32
          %dma_wait3A_39 = arith.constant 0 : i32
          %dma_wait3A_40 = tpu.memref_slice %arg10[%dma_wait3A_38, %dma_wait3A_39] : memref<10240x128xf32, #tpu.memory_space<vmem_shared>> -> memref<10240x128xf32, #tpu.memory_space<vmem_shared>>
          tpu.wait_indirect_dma semaphore(%run_scoped3A : memref<!tpu.dma_semaphore, #tpu.memory_space<semaphore_mem>>) src(%arg9 : memref<80x128xf32, #tpu.memory_space<vmem>>) dst(%dma_wait3A_40 : memref<10240x128xf32, #tpu.memory_space<vmem_shared>>)
          tpu.yield
        }) : () -> ()
      }
      %scan3A_17 = arith.constant 25 : i32
    }
    %scan3A_6 = arith.constant 10 : i32
    %barrier3A_7 = arith.constant 0 : index
    tpu.barrier barrier_id(%barrier3A_7)
    %mul3A_8 = arith.constant 640 : i32
    %mul3A_9 = arith.muli %arg1, %mul3A_8 : i32
    %mul3A_10 = arith.constant 640 : i32
    %mul3A_11 = arith.muli %arg1, %mul3A_10 : i32
    "tpu.region"() ({
      %run_scoped3A = tpu.sem_alloc : memref<!tpu.dma_semaphore, #tpu.memory_space<semaphore_mem>>
      %dma_start3A = arith.constant 0 : i32
      %dma_start3A_12 = tpu.memref_slice %arg6[%arg0, %mul3A_11, %dma_start3A] : memref<2x10240x128xf32, #tpu.memory_space<hbm>> -> memref<1x640x128xf32, #tpu.memory_space<hbm>>
      %dma_start3A_13 = tpu.memref_squeeze %dma_start3A_12 : memref<1x640x128xf32, #tpu.memory_space<hbm>> -> memref<640x128xf32, #tpu.memory_space<hbm>>
      %dma_start3A_14 = arith.constant 0 : i32
      %dma_start3A_15 = tpu.memref_slice %arg10[%mul3A_9, %dma_start3A_14] : memref<10240x128xf32, #tpu.memory_space<vmem_shared>> -> memref<640x128xf32, #tpu.memory_space<vmem_shared>>
      tpu.enqueue_dma source(%dma_start3A_15 : memref<640x128xf32, #tpu.memory_space<vmem_shared>>) target(%dma_start3A_13 : memref<640x128xf32, #tpu.memory_space<hbm>>) target_semaphore(%run_scoped3A : memref<!tpu.dma_semaphore, #tpu.memory_space<semaphore_mem>>)
      %dma_wait3A = arith.constant 0 : i32
      %dma_wait3A_16 = tpu.memref_slice %arg6[%arg0, %mul3A_11, %dma_wait3A] : memref<2x10240x128xf32, #tpu.memory_space<hbm>> -> memref<1x640x128xf32, #tpu.memory_space<hbm>>
      %dma_wait3A_17 = tpu.memref_squeeze %dma_wait3A_16 : memref<1x640x128xf32, #tpu.memory_space<hbm>> -> memref<640x128xf32, #tpu.memory_space<hbm>>
      %dma_wait3A_18 = arith.constant 0 : i32
      %dma_wait3A_19 = tpu.memref_slice %arg10[%mul3A_9, %dma_wait3A_18] : memref<10240x128xf32, #tpu.memory_space<vmem_shared>> -> memref<640x128xf32, #tpu.memory_space<vmem_shared>>
      tpu.wait_dma2 semaphore(%run_scoped3A : memref<!tpu.dma_semaphore, #tpu.memory_space<semaphore_mem>>) src(%dma_wait3A_19 : memref<640x128xf32, #tpu.memory_space<vmem_shared>>) dst(%dma_wait3A_17 : memref<640x128xf32, #tpu.memory_space<hbm>>)
      tpu.yield
    }) : () -> ()
    return
  }
}

module attributes {stable_mosaic.version = 14 : i64} {
  func.func @_tables_body(%arg0: i32, %arg1: memref<640x128xf32, #tpu.memory_space<vmem>>, %arg2: memref<128x128xf32, #tpu.memory_space<vmem>>, %arg3: memref<1x128xf32, #tpu.memory_space<vmem>>, %arg4: memref<128x128xf32, #tpu.memory_space<vmem>>, %arg5: memref<128x128xf32, #tpu.memory_space<vmem>>, %arg6: memref<1x128xf32, #tpu.memory_space<vmem>>, %arg7: memref<64x128xf32, #tpu.memory_space<vmem>>, %arg8: memref<640x128xf32, #tpu.memory_space<vmem>>, %arg9: memref<64x128xf32, #tpu.memory_space<vmem>>) attributes {dimension_semantics = [#tpu.dimension_semantics<arbitrary>], iteration_bounds = array<i64: 16>, scalar_prefetch = 0 : i64, scratch_operands = 0 : i64, tpu.core_type = #tpu.core_type<tc>, window_params = [{transform_indices = @transform_0, window_bounds = array<i64: 640, 128>}, {pipeline_mode = #tpu.pipeline_mode<synchronous>, transform_indices = @transform_1, window_bounds = array<i64: 128, 128>}, {pipeline_mode = #tpu.pipeline_mode<synchronous>, transform_indices = @transform_2, window_bounds = array<i64: 1, 128>}, {pipeline_mode = #tpu.pipeline_mode<synchronous>, transform_indices = @transform_3, window_bounds = array<i64: 128, 128>}, {pipeline_mode = #tpu.pipeline_mode<synchronous>, transform_indices = @transform_4, window_bounds = array<i64: 128, 128>}, {pipeline_mode = #tpu.pipeline_mode<synchronous>, transform_indices = @transform_5, window_bounds = array<i64: 1, 128>}, {pipeline_mode = #tpu.pipeline_mode<synchronous>, transform_indices = @transform_6, window_bounds = array<i64: 64, 128>}, {transform_indices = @transform_7, window_bounds = array<i64: 640, 128>}, {pipeline_mode = #tpu.pipeline_mode<synchronous>, transform_indices = @transform_8, window_bounds = array<i64: 64, 128>}]} {
    %get3A = arith.constant 0 : index
    %get3A_0 = arith.constant 0 : index
    %get3A_1 = vector.load %arg1[%get3A, %get3A_0] : memref<640x128xf32, #tpu.memory_space<vmem>>, vector<640x128xf32>
    %get3A_2 = arith.constant 0 : index
    %get3A_3 = arith.constant 0 : index
    %get3A_4 = vector.load %arg2[%get3A_2, %get3A_3] : memref<128x128xf32, #tpu.memory_space<vmem>>, vector<128x128xf32>
    %dot_general3A = arith.constant dense<0.000000e+00> : vector<640x128xf32>
    %dot_general3A_5 = tpu.matmul %get3A_1, %get3A_4, %dot_general3A {dimension_numbers = #tpu.dot_dimension_numbers<[1], [0], [0], [1], [0, 0, 1, 1], [], []>, transpose_lhs_hint = false} : vector<640x128xf32>, vector<128x128xf32>, vector<640x128xf32> -> vector<640x128xf32>
    %get3A_6 = arith.constant 0 : index
    %get3A_7 = arith.constant 0 : index
    %get3A_8 = vector.load %arg3[%get3A_6, %get3A_7] : memref<1x128xf32, #tpu.memory_space<vmem>>, vector<1x128xf32>
    %add3A = vector.broadcast %get3A_8 : vector<1x128xf32> to vector<640x128xf32>
    %add3A_9 = arith.addf %dot_general3A_5, %add3A : vector<640x128xf32>
    %tanh3A = math.tanh %add3A_9 : vector<640x128xf32>
    %get3A_10 = arith.constant 0 : index
    %get3A_11 = arith.constant 0 : index
    %get3A_12 = vector.load %arg5[%get3A_10, %get3A_11] : memref<128x128xf32, #tpu.memory_space<vmem>>, vector<128x128xf32>
    %dot_general3A_13 = arith.constant dense<0.000000e+00> : vector<640x128xf32>
    %dot_general3A_14 = tpu.matmul %tanh3A, %get3A_12, %dot_general3A_13 {dimension_numbers = #tpu.dot_dimension_numbers<[1], [0], [0], [1], [0, 0, 1, 1], [], []>, transpose_lhs_hint = false} : vector<640x128xf32>, vector<128x128xf32>, vector<640x128xf32> -> vector<640x128xf32>
    %swap3A = arith.constant 0 : index
    %swap3A_15 = arith.constant 0 : index
    %swap3A_16 = vector.load %arg8[%swap3A, %swap3A_15] : memref<640x128xf32, #tpu.memory_space<vmem>>, vector<640x128xf32>
    tpu.vector_store %arg8[%swap3A, %swap3A_15], %dot_general3A_14 {strides = array<i32>} : memref<640x128xf32, #tpu.memory_space<vmem>>, vector<640x128xf32>,
    %get3A_17 = arith.constant 0 : index
    %get3A_18 = arith.constant 0 : index
    %get3A_19 = vector.load %arg7[%get3A_17, %get3A_18] : memref<64x128xf32, #tpu.memory_space<vmem>>, vector<64x128xf32>
    %get3A_20 = arith.constant 0 : index
    %get3A_21 = arith.constant 0 : index
    %get3A_22 = vector.load %arg4[%get3A_20, %get3A_21] : memref<128x128xf32, #tpu.memory_space<vmem>>, vector<128x128xf32>
    %dot_general3A_23 = arith.constant dense<0.000000e+00> : vector<64x128xf32>
    %dot_general3A_24 = tpu.matmul %get3A_19, %get3A_22, %dot_general3A_23 {dimension_numbers = #tpu.dot_dimension_numbers<[1], [0], [0], [1], [0, 0, 1, 1], [], []>, transpose_lhs_hint = false} : vector<64x128xf32>, vector<128x128xf32>, vector<64x128xf32> -> vector<64x128xf32>
    %get3A_25 = arith.constant 0 : index
    %get3A_26 = arith.constant 0 : index
    %get3A_27 = vector.load %arg6[%get3A_25, %get3A_26] : memref<1x128xf32, #tpu.memory_space<vmem>>, vector<1x128xf32>
    %add3A_28 = vector.broadcast %get3A_27 : vector<1x128xf32> to vector<64x128xf32>
    %add3A_29 = arith.addf %dot_general3A_24, %add3A_28 : vector<64x128xf32>
    %swap3A_30 = arith.constant 0 : index
    %swap3A_31 = arith.constant 0 : index
    %swap3A_32 = vector.load %arg9[%swap3A_30, %swap3A_31] : memref<64x128xf32, #tpu.memory_space<vmem>>, vector<64x128xf32>
    tpu.vector_store %arg9[%swap3A_30, %swap3A_31], %add3A_29 {strides = array<i32>} : memref<64x128xf32, #tpu.memory_space<vmem>>, vector<64x128xf32>,
    return
  }
  func.func @transform_0(%arg0: i32) -> (i32, i32) {
    %c0_i32 = arith.constant 0 : i32
    %c0_i32_0 = arith.constant 0 : i32
    return %arg0, %c0_i32 : i32, i32
  }
  func.func @transform_1(%arg0: i32) -> (i32, i32) {
    %c0_i32 = arith.constant 0 : i32
    %c0_i32_0 = arith.constant 0 : i32
    %c0_i32_1 = arith.constant 0 : i32
    return %c0_i32, %c0_i32_0 : i32, i32
  }
  func.func @transform_2(%arg0: i32) -> (i32, i32) {
    %c0_i32 = arith.constant 0 : i32
    %c0_i32_0 = arith.constant 0 : i32
    %c0_i32_1 = arith.constant 0 : i32
    return %c0_i32, %c0_i32_0 : i32, i32
  }
  func.func @transform_3(%arg0: i32) -> (i32, i32) {
    %c0_i32 = arith.constant 0 : i32
    %c0_i32_0 = arith.constant 0 : i32
    %c0_i32_1 = arith.constant 0 : i32
    return %c0_i32, %c0_i32_0 : i32, i32
  }
  func.func @transform_4(%arg0: i32) -> (i32, i32) {
    %c0_i32 = arith.constant 0 : i32
    %c0_i32_0 = arith.constant 0 : i32
    %c0_i32_1 = arith.constant 0 : i32
    return %c0_i32, %c0_i32_0 : i32, i32
  }
  func.func @transform_5(%arg0: i32) -> (i32, i32) {
    %c0_i32 = arith.constant 0 : i32
    %c0_i32_0 = arith.constant 0 : i32
    %c0_i32_1 = arith.constant 0 : i32
    return %c0_i32, %c0_i32_0 : i32, i32
  }
  func.func @transform_6(%arg0: i32) -> (i32, i32) {
    %c0_i32 = arith.constant 0 : i32
    %c0_i32_0 = arith.constant 0 : i32
    %c0_i32_1 = arith.constant 0 : i32
    return %c0_i32, %c0_i32_0 : i32, i32
  }
  func.func @transform_7(%arg0: i32) -> (i32, i32) {
    %c0_i32 = arith.constant 0 : i32
    %c0_i32_0 = arith.constant 0 : i32
    return %arg0, %c0_i32 : i32, i32
  }
  func.func @transform_8(%arg0: i32) -> (i32, i32) {
    %c0_i32 = arith.constant 0 : i32
    %c0_i32_0 = arith.constant 0 : i32
    %c0_i32_1 = arith.constant 0 : i32
    return %c0_i32, %c0_i32_0 : i32, i32
  }
}

module attributes {stable_mosaic.version = 14 : i64} {
  func.func @_edge_tanh_body(%arg0: i32, %arg1: memref<2000x128xf32, #tpu.memory_space<vmem>>, %arg2: memref<1x1x2000xi32, #tpu.memory_space<vmem>>, %arg3: memref<64x128xf32, #tpu.memory_space<vmem>>, %arg4: memref<2000x128xf32, #tpu.memory_space<vmem>>) attributes {dimension_semantics = [#tpu.dimension_semantics<arbitrary>], iteration_bounds = array<i64: 160>, scalar_prefetch = 0 : i64, scratch_operands = 0 : i64, tpu.core_type = #tpu.core_type<tc>, window_params = [{transform_indices = @transform_0, window_bounds = array<i64: 2000, 128>}, {transform_indices = @transform_1, window_bounds = array<i64: 1, 1, 2000>}, {pipeline_mode = #tpu.pipeline_mode<synchronous>, transform_indices = @transform_2, window_bounds = array<i64: 64, 128>}, {transform_indices = @transform_3, window_bounds = array<i64: 2000, 128>}]} {
    %get3A = arith.constant 0 : index
    %get3A_0 = arith.constant 0 : index
    %get3A_1 = arith.constant 0 : index
    %get3A_2 = vector.load %arg2[%get3A, %get3A_0, %get3A_1] : memref<1x1x2000xi32, #tpu.memory_space<vmem>>, vector<1x1x2000xi32>
    %reshape3A = vector.shape_cast %get3A_2 : vector<1x1x2000xi32> to vector<2000x1xi32>
    %iota3A = tpu.iota {dimensions = array<i32: 1>} : vector<1x64xi32>
    %eq3A = vector.broadcast %reshape3A : vector<2000x1xi32> to vector<2000x64xi32>
    %eq3A_3 = vector.broadcast %iota3A : vector<1x64xi32> to vector<2000x64xi32>
    %eq3A_4 = arith.cmpi eq, %eq3A, %eq3A_3 : vector<2000x64xi32>
    %convert_element_type3A = arith.extui %eq3A_4 : vector<2000x64xi1> to vector<2000x64xi32>
    %convert_element_type3A_5 = arith.sitofp %convert_element_type3A : vector<2000x64xi32> to vector<2000x64xf32>
    %get3A_6 = arith.constant 0 : index
    %get3A_7 = arith.constant 0 : index
    %get3A_8 = vector.load %arg3[%get3A_6, %get3A_7] : memref<64x128xf32, #tpu.memory_space<vmem>>, vector<64x128xf32>
    %dot_general3A = arith.constant dense<0.000000e+00> : vector<2000x128xf32>
    %dot_general3A_9 = tpu.matmul %convert_element_type3A_5, %get3A_8, %dot_general3A {dimension_numbers = #tpu.dot_dimension_numbers<[1], [0], [0], [1], [0, 0, 1, 1], [], []>, transpose_lhs_hint = false} : vector<2000x64xf32>, vector<64x128xf32>, vector<2000x128xf32> -> vector<2000x128xf32>
    %get3A_10 = arith.constant 0 : index
    %get3A_11 = arith.constant 0 : index
    %get3A_12 = vector.load %arg1[%get3A_10, %get3A_11] : memref<2000x128xf32, #tpu.memory_space<vmem>>, vector<2000x128xf32>
    %add3A = arith.addf %get3A_12, %dot_general3A_9 : vector<2000x128xf32>
    %tanh3A = math.tanh %add3A : vector<2000x128xf32>
    %swap3A = arith.constant 0 : index
    %swap3A_13 = arith.constant 0 : index
    %swap3A_14 = vector.load %arg4[%swap3A, %swap3A_13] : memref<2000x128xf32, #tpu.memory_space<vmem>>, vector<2000x128xf32>
    tpu.vector_store %arg4[%swap3A, %swap3A_13], %tanh3A {strides = array<i32>} : memref<2000x128xf32, #tpu.memory_space<vmem>>, vector<2000x128xf32>,
    return
  }
  func.func @transform_0(%arg0: i32) -> (i32, i32) {
    %c0_i32 = arith.constant 0 : i32
    %c0_i32_0 = arith.constant 0 : i32
    return %arg0, %c0_i32 : i32, i32
  }
  func.func @transform_1(%arg0: i32) -> (i32, i32, i32) {
    %c0_i32 = arith.constant 0 : i32
    %c0_i32_0 = arith.constant 0 : i32
    %c0_i32_1 = arith.constant 0 : i32
    return %arg0, %c0_i32, %c0_i32_0 : i32, i32, i32
  }
  func.func @transform_2(%arg0: i32) -> (i32, i32) {
    %c0_i32 = arith.constant 0 : i32
    %c0_i32_0 = arith.constant 0 : i32
    %c0_i32_1 = arith.constant 0 : i32
    return %c0_i32, %c0_i32_0 : i32, i32
  }
  func.func @transform_3(%arg0: i32) -> (i32, i32) {
    %c0_i32 = arith.constant 0 : i32
    %c0_i32_0 = arith.constant 0 : i32
    return %arg0, %c0_i32 : i32, i32
  }
}

module attributes {stable_mosaic.version = 14 : i64} {
  func.func @_gates_body(%arg0: i32, %arg1: memref<640x128xf32, #tpu.memory_space<vmem>>, %arg2: memref<640x128xf32, #tpu.memory_space<vmem>>, %arg3: memref<640x128xf32, #tpu.memory_space<vmem>>, %arg4: memref<640x128xf32, #tpu.memory_space<vmem>>, %arg5: memref<640x128xf32, #tpu.memory_space<vmem>>, %arg6: memref<512x512xf32, #tpu.memory_space<vmem>>, %arg7: memref<1x512xf32, #tpu.memory_space<vmem>>, %arg8: memref<640x128xf32, #tpu.memory_space<vmem>>, %arg9: memref<640x128xf32, #tpu.memory_space<vmem>>) attributes {dimension_semantics = [#tpu.dimension_semantics<arbitrary>], iteration_bounds = array<i64: 16>, scalar_prefetch = 0 : i64, scratch_operands = 0 : i64, tpu.core_type = #tpu.core_type<tc>, window_params = [{transform_indices = @transform_0, window_bounds = array<i64: 640, 128>}, {transform_indices = @transform_1, window_bounds = array<i64: 640, 128>}, {transform_indices = @transform_2, window_bounds = array<i64: 640, 128>}, {transform_indices = @transform_3, window_bounds = array<i64: 640, 128>}, {transform_indices = @transform_4, window_bounds = array<i64: 640, 128>}, {pipeline_mode = #tpu.pipeline_mode<synchronous>, transform_indices = @transform_5, window_bounds = array<i64: 512, 512>}, {pipeline_mode = #tpu.pipeline_mode<synchronous>, transform_indices = @transform_6, window_bounds = array<i64: 1, 512>}, {transform_indices = @transform_7, window_bounds = array<i64: 640, 128>}, {transform_indices = @transform_8, window_bounds = array<i64: 640, 128>}]} {
    %get3A = arith.constant 0 : index
    %get3A_0 = arith.constant 0 : index
    %get3A_1 = vector.load %arg1[%get3A, %get3A_0] : memref<640x128xf32, #tpu.memory_space<vmem>>, vector<640x128xf32>
    %get3A_2 = arith.constant 0 : index
    %get3A_3 = arith.constant 0 : index
    %get3A_4 = vector.load %arg2[%get3A_2, %get3A_3] : memref<640x128xf32, #tpu.memory_space<vmem>>, vector<640x128xf32>
    %get3A_5 = arith.constant 0 : index
    %get3A_6 = arith.constant 0 : index
    %get3A_7 = vector.load %arg3[%get3A_5, %get3A_6] : memref<640x128xf32, #tpu.memory_space<vmem>>, vector<640x128xf32>
    %get3A_8 = arith.constant 0 : index
    %get3A_9 = arith.constant 0 : index
    %get3A_10 = vector.load %arg4[%get3A_8, %get3A_9] : memref<640x128xf32, #tpu.memory_space<vmem>>, vector<640x128xf32>
    %concatenate3A = tpu.concatenate %get3A_1, %get3A_4, %get3A_7, %get3A_10 in 1 : vector<640x128xf32>, vector<640x128xf32>, vector<640x128xf32>, vector<640x128xf32> -> vector<640x512xf32>
    %get3A_11 = arith.constant 0 : index
    %get3A_12 = arith.constant 0 : index
    %get3A_13 = vector.load %arg6[%get3A_11, %get3A_12] : memref<512x512xf32, #tpu.memory_space<vmem>>, vector<512x512xf32>
    %dot_general3A = arith.constant dense<0.000000e+00> : vector<640x512xf32>
    %dot_general3A_14 = tpu.matmul %concatenate3A, %get3A_13, %dot_general3A {dimension_numbers = #tpu.dot_dimension_numbers<[1], [0], [0], [1], [0, 0, 1, 1], [], []>, transpose_lhs_hint = false} : vector<640x512xf32>, vector<512x512xf32>, vector<640x512xf32> -> vector<640x512xf32>
    %get3A_15 = arith.constant 0 : index
    %get3A_16 = arith.constant 0 : index
    %get3A_17 = vector.load %arg7[%get3A_15, %get3A_16] : memref<1x512xf32, #tpu.memory_space<vmem>>, vector<1x512xf32>
    %add3A = vector.broadcast %get3A_17 : vector<1x512xf32> to vector<640x512xf32>
    %add3A_18 = arith.addf %dot_general3A_14, %add3A : vector<640x512xf32>
    %slice3A = vector.extract_strided_slice %add3A_18 {offsets = [0, 0], sizes = [640, 128], strides = [1, 1]} : vector<640x512xf32> to vector<640x128xf32>
    %logistic3A = arith.negf %slice3A : vector<640x128xf32>
    %logistic3A_19 = math.exp %logistic3A : vector<640x128xf32>
    %logistic3A_20 = arith.constant 1.000000e+00 : f32
    %logistic3A_21 = vector.broadcast %logistic3A_20 : f32 to vector<640x128xf32>
    %logistic3A_22 = arith.addf %logistic3A_21, %logistic3A_19 : vector<640x128xf32>
    %logistic3A_23 = arith.divf %logistic3A_21, %logistic3A_22 : vector<640x128xf32>
    %slice3A_24 = vector.extract_strided_slice %add3A_18 {offsets = [0, 128], sizes = [640, 128], strides = [1, 1]} : vector<640x512xf32> to vector<640x128xf32>
    %logistic3A_25 = arith.negf %slice3A_24 : vector<640x128xf32>
    %logistic3A_26 = math.exp %logistic3A_25 : vector<640x128xf32>
    %logistic3A_27 = arith.constant 1.000000e+00 : f32
    %logistic3A_28 = vector.broadcast %logistic3A_27 : f32 to vector<640x128xf32>
    %logistic3A_29 = arith.addf %logistic3A_28, %logistic3A_26 : vector<640x128xf32>
    %logistic3A_30 = arith.divf %logistic3A_28, %logistic3A_29 : vector<640x128xf32>
    %slice3A_31 = vector.extract_strided_slice %add3A_18 {offsets = [0, 256], sizes = [640, 128], strides = [1, 1]} : vector<640x512xf32> to vector<640x128xf32>
    %logistic3A_32 = arith.negf %slice3A_31 : vector<640x128xf32>
    %logistic3A_33 = math.exp %logistic3A_32 : vector<640x128xf32>
    %logistic3A_34 = arith.constant 1.000000e+00 : f32
    %logistic3A_35 = vector.broadcast %logistic3A_34 : f32 to vector<640x128xf32>
    %logistic3A_36 = arith.addf %logistic3A_35, %logistic3A_33 : vector<640x128xf32>
    %logistic3A_37 = arith.divf %logistic3A_35, %logistic3A_36 : vector<640x128xf32>
    %slice3A_38 = vector.extract_strided_slice %add3A_18 {offsets = [0, 384], sizes = [640, 128], strides = [1, 1]} : vector<640x512xf32> to vector<640x128xf32>
    %tanh3A = math.tanh %slice3A_38 : vector<640x128xf32>
    %get3A_39 = arith.constant 0 : index
    %get3A_40 = arith.constant 0 : index
    %get3A_41 = vector.load %arg5[%get3A_39, %get3A_40] : memref<640x128xf32, #tpu.memory_space<vmem>>, vector<640x128xf32>
    %mul3A = arith.mulf %logistic3A_37, %get3A_41 : vector<640x128xf32>
    %mul3A_42 = arith.mulf %logistic3A_23, %tanh3A : vector<640x128xf32>
    %add3A_43 = arith.addf %mul3A, %mul3A_42 : vector<640x128xf32>
    %swap3A = arith.constant 0 : index
    %swap3A_44 = arith.constant 0 : index
    %swap3A_45 = vector.load %arg9[%swap3A, %swap3A_44] : memref<640x128xf32, #tpu.memory_space<vmem>>, vector<640x128xf32>
    tpu.vector_store %arg9[%swap3A, %swap3A_44], %add3A_43 {strides = array<i32>} : memref<640x128xf32, #tpu.memory_space<vmem>>, vector<640x128xf32>,
    %tanh3A_46 = math.tanh %add3A_43 : vector<640x128xf32>
    %mul3A_47 = arith.mulf %logistic3A_30, %tanh3A_46 : vector<640x128xf32>
    %swap3A_48 = arith.constant 0 : index
    %swap3A_49 = arith.constant 0 : index
    %swap3A_50 = vector.load %arg8[%swap3A_48, %swap3A_49] : memref<640x128xf32, #tpu.memory_space<vmem>>, vector<640x128xf32>
    tpu.vector_store %arg8[%swap3A_48, %swap3A_49], %mul3A_47 {strides = array<i32>} : memref<640x128xf32, #tpu.memory_space<vmem>>, vector<640x128xf32>,
    return
  }
  func.func @transform_0(%arg0: i32) -> (i32, i32) {
    %c0_i32 = arith.constant 0 : i32
    %c0_i32_0 = arith.constant 0 : i32
    return %arg0, %c0_i32 : i32, i32
  }
  func.func @transform_1(%arg0: i32) -> (i32, i32) {
    %c0_i32 = arith.constant 0 : i32
    %c0_i32_0 = arith.constant 0 : i32
    return %arg0, %c0_i32 : i32, i32
  }
  func.func @transform_2(%arg0: i32) -> (i32, i32) {
    %c0_i32 = arith.constant 0 : i32
    %c0_i32_0 = arith.constant 0 : i32
    return %arg0, %c0_i32 : i32, i32
  }
  func.func @transform_3(%arg0: i32) -> (i32, i32) {
    %c0_i32 = arith.constant 0 : i32
    %c0_i32_0 = arith.constant 0 : i32
    return %arg0, %c0_i32 : i32, i32
  }
  func.func @transform_4(%arg0: i32) -> (i32, i32) {
    %c0_i32 = arith.constant 0 : i32
    %c0_i32_0 = arith.constant 0 : i32
    return %arg0, %c0_i32 : i32, i32
  }
  func.func @transform_5(%arg0: i32) -> (i32, i32) {
    %c0_i32 = arith.constant 0 : i32
    %c0_i32_0 = arith.constant 0 : i32
    %c0_i32_1 = arith.constant 0 : i32
    return %c0_i32, %c0_i32_0 : i32, i32
  }
  func.func @transform_6(%arg0: i32) -> (i32, i32) {
    %c0_i32 = arith.constant 0 : i32
    %c0_i32_0 = arith.constant 0 : i32
    %c0_i32_1 = arith.constant 0 : i32
    return %c0_i32, %c0_i32_0 : i32, i32
  }
  func.func @transform_7(%arg0: i32) -> (i32, i32) {
    %c0_i32 = arith.constant 0 : i32
    %c0_i32_0 = arith.constant 0 : i32
    return %arg0, %c0_i32 : i32, i32
  }
  func.func @transform_8(%arg0: i32) -> (i32, i32) {
    %c0_i32 = arith.constant 0 : i32
    %c0_i32_0 = arith.constant 0 : i32
    return %arg0, %c0_i32 : i32, i32
  }
}

module attributes {stable_mosaic.version = 14 : i64} {
  func.func @_gates_body(%arg0: i32, %arg1: memref<640x128xf32, #tpu.memory_space<vmem>>, %arg2: memref<640x128xf32, #tpu.memory_space<vmem>>, %arg3: memref<640x128xf32, #tpu.memory_space<vmem>>, %arg4: memref<640x128xf32, #tpu.memory_space<vmem>>, %arg5: memref<640x128xf32, #tpu.memory_space<vmem>>, %arg6: memref<512x512xf32, #tpu.memory_space<vmem>>, %arg7: memref<1x512xf32, #tpu.memory_space<vmem>>, %arg8: memref<640x128xf32, #tpu.memory_space<vmem>>, %arg9: memref<640x128xf32, #tpu.memory_space<vmem>>) attributes {dimension_semantics = [#tpu.dimension_semantics<arbitrary>], iteration_bounds = array<i64: 16>, scalar_prefetch = 0 : i64, scratch_operands = 0 : i64, tpu.core_type = #tpu.core_type<tc>, window_params = [{transform_indices = @transform_0, window_bounds = array<i64: 640, 128>}, {transform_indices = @transform_1, window_bounds = array<i64: 640, 128>}, {transform_indices = @transform_2, window_bounds = array<i64: 640, 128>}, {transform_indices = @transform_3, window_bounds = array<i64: 640, 128>}, {transform_indices = @transform_4, window_bounds = array<i64: 640, 128>}, {pipeline_mode = #tpu.pipeline_mode<synchronous>, transform_indices = @transform_5, window_bounds = array<i64: 512, 512>}, {pipeline_mode = #tpu.pipeline_mode<synchronous>, transform_indices = @transform_6, window_bounds = array<i64: 1, 512>}, {transform_indices = @transform_7, window_bounds = array<i64: 640, 128>}, {transform_indices = @transform_8, window_bounds = array<i64: 640, 128>}]} {
    %get3A = arith.constant 0 : index
    %get3A_0 = arith.constant 0 : index
    %get3A_1 = vector.load %arg1[%get3A, %get3A_0] : memref<640x128xf32, #tpu.memory_space<vmem>>, vector<640x128xf32>
    %get3A_2 = arith.constant 0 : index
    %get3A_3 = arith.constant 0 : index
    %get3A_4 = vector.load %arg2[%get3A_2, %get3A_3] : memref<640x128xf32, #tpu.memory_space<vmem>>, vector<640x128xf32>
    %get3A_5 = arith.constant 0 : index
    %get3A_6 = arith.constant 0 : index
    %get3A_7 = vector.load %arg3[%get3A_5, %get3A_6] : memref<640x128xf32, #tpu.memory_space<vmem>>, vector<640x128xf32>
    %get3A_8 = arith.constant 0 : index
    %get3A_9 = arith.constant 0 : index
    %get3A_10 = vector.load %arg4[%get3A_8, %get3A_9] : memref<640x128xf32, #tpu.memory_space<vmem>>, vector<640x128xf32>
    %concatenate3A = tpu.concatenate %get3A_1, %get3A_4, %get3A_7, %get3A_10 in 1 : vector<640x128xf32>, vector<640x128xf32>, vector<640x128xf32>, vector<640x128xf32> -> vector<640x512xf32>
    %get3A_11 = arith.constant 0 : index
    %get3A_12 = arith.constant 0 : index
    %get3A_13 = vector.load %arg6[%get3A_11, %get3A_12] : memref<512x512xf32, #tpu.memory_space<vmem>>, vector<512x512xf32>
    %dot_general3A = arith.constant dense<0.000000e+00> : vector<640x512xf32>
    %dot_general3A_14 = tpu.matmul %concatenate3A, %get3A_13, %dot_general3A {dimension_numbers = #tpu.dot_dimension_numbers<[1], [0], [0], [1], [0, 0, 1, 1], [], []>, transpose_lhs_hint = false} : vector<640x512xf32>, vector<512x512xf32>, vector<640x512xf32> -> vector<640x512xf32>
    %get3A_15 = arith.constant 0 : index
    %get3A_16 = arith.constant 0 : index
    %get3A_17 = vector.load %arg7[%get3A_15, %get3A_16] : memref<1x512xf32, #tpu.memory_space<vmem>>, vector<1x512xf32>
    %add3A = vector.broadcast %get3A_17 : vector<1x512xf32> to vector<640x512xf32>
    %add3A_18 = arith.addf %dot_general3A_14, %add3A : vector<640x512xf32>
    %slice3A = vector.extract_strided_slice %add3A_18 {offsets = [0, 0], sizes = [640, 128], strides = [1, 1]} : vector<640x512xf32> to vector<640x128xf32>
    %logistic3A = arith.negf %slice3A : vector<640x128xf32>
    %logistic3A_19 = math.exp %logistic3A : vector<640x128xf32>
    %logistic3A_20 = arith.constant 1.000000e+00 : f32
    %logistic3A_21 = vector.broadcast %logistic3A_20 : f32 to vector<640x128xf32>
    %logistic3A_22 = arith.addf %logistic3A_21, %logistic3A_19 : vector<640x128xf32>
    %logistic3A_23 = arith.divf %logistic3A_21, %logistic3A_22 : vector<640x128xf32>
    %slice3A_24 = vector.extract_strided_slice %add3A_18 {offsets = [0, 128], sizes = [640, 128], strides = [1, 1]} : vector<640x512xf32> to vector<640x128xf32>
    %logistic3A_25 = arith.negf %slice3A_24 : vector<640x128xf32>
    %logistic3A_26 = math.exp %logistic3A_25 : vector<640x128xf32>
    %logistic3A_27 = arith.constant 1.000000e+00 : f32
    %logistic3A_28 = vector.broadcast %logistic3A_27 : f32 to vector<640x128xf32>
    %logistic3A_29 = arith.addf %logistic3A_28, %logistic3A_26 : vector<640x128xf32>
    %logistic3A_30 = arith.divf %logistic3A_28, %logistic3A_29 : vector<640x128xf32>
    %slice3A_31 = vector.extract_strided_slice %add3A_18 {offsets = [0, 256], sizes = [640, 128], strides = [1, 1]} : vector<640x512xf32> to vector<640x128xf32>
    %logistic3A_32 = arith.negf %slice3A_31 : vector<640x128xf32>
    %logistic3A_33 = math.exp %logistic3A_32 : vector<640x128xf32>
    %logistic3A_34 = arith.constant 1.000000e+00 : f32
    %logistic3A_35 = vector.broadcast %logistic3A_34 : f32 to vector<640x128xf32>
    %logistic3A_36 = arith.addf %logistic3A_35, %logistic3A_33 : vector<640x128xf32>
    %logistic3A_37 = arith.divf %logistic3A_35, %logistic3A_36 : vector<640x128xf32>
    %slice3A_38 = vector.extract_strided_slice %add3A_18 {offsets = [0, 384], sizes = [640, 128], strides = [1, 1]} : vector<640x512xf32> to vector<640x128xf32>
    %tanh3A = math.tanh %slice3A_38 : vector<640x128xf32>
    %get3A_39 = arith.constant 0 : index
    %get3A_40 = arith.constant 0 : index
    %get3A_41 = vector.load %arg5[%get3A_39, %get3A_40] : memref<640x128xf32, #tpu.memory_space<vmem>>, vector<640x128xf32>
    %mul3A = arith.mulf %logistic3A_37, %get3A_41 : vector<640x128xf32>
    %mul3A_42 = arith.mulf %logistic3A_23, %tanh3A : vector<640x128xf32>
    %add3A_43 = arith.addf %mul3A, %mul3A_42 : vector<640x128xf32>
    %swap3A = arith.constant 0 : index
    %swap3A_44 = arith.constant 0 : index
    %swap3A_45 = vector.load %arg9[%swap3A, %swap3A_44] : memref<640x128xf32, #tpu.memory_space<vmem>>, vector<640x128xf32>
    tpu.vector_store %arg9[%swap3A, %swap3A_44], %add3A_43 {strides = array<i32>} : memref<640x128xf32, #tpu.memory_space<vmem>>, vector<640x128xf32>,
    %tanh3A_46 = math.tanh %add3A_43 : vector<640x128xf32>
    %mul3A_47 = arith.mulf %logistic3A_30, %tanh3A_46 : vector<640x128xf32>
    %swap3A_48 = arith.constant 0 : index
    %swap3A_49 = arith.constant 0 : index
    %swap3A_50 = vector.load %arg8[%swap3A_48, %swap3A_49] : memref<640x128xf32, #tpu.memory_space<vmem>>, vector<640x128xf32>
    tpu.vector_store %arg8[%swap3A_48, %swap3A_49], %mul3A_47 {strides = array<i32>} : memref<640x128xf32, #tpu.memory_space<vmem>>, vector<640x128xf32>,
    return
  }
  func.func @transform_0(%arg0: i32) -> (i32, i32) {
    %c0_i32 = arith.constant 0 : i32
    %c0_i32_0 = arith.constant 0 : i32
    return %arg0, %c0_i32 : i32, i32
  }
  func.func @transform_1(%arg0: i32) -> (i32, i32) {
    %c0_i32 = arith.constant 0 : i32
    %c0_i32_0 = arith.constant 0 : i32
    return %arg0, %c0_i32 : i32, i32
  }
  func.func @transform_2(%arg0: i32) -> (i32, i32) {
    %c0_i32 = arith.constant 0 : i32
    %c0_i32_0 = arith.constant 0 : i32
    return %arg0, %c0_i32 : i32, i32
  }
  func.func @transform_3(%arg0: i32) -> (i32, i32) {
    %c0_i32 = arith.constant 0 : i32
    %c0_i32_0 = arith.constant 0 : i32
    return %arg0, %c0_i32 : i32, i32
  }
  func.func @transform_4(%arg0: i32) -> (i32, i32) {
    %c0_i32 = arith.constant 0 : i32
    %c0_i32_0 = arith.constant 0 : i32
    return %arg0, %c0_i32 : i32, i32
  }
  func.func @transform_5(%arg0: i32) -> (i32, i32) {
    %c0_i32 = arith.constant 0 : i32
    %c0_i32_0 = arith.constant 0 : i32
    %c0_i32_1 = arith.constant 0 : i32
    return %c0_i32, %c0_i32_0 : i32, i32
  }
  func.func @transform_6(%arg0: i32) -> (i32, i32) {
    %c0_i32 = arith.constant 0 : i32
    %c0_i32_0 = arith.constant 0 : i32
    %c0_i32_1 = arith.constant 0 : i32
    return %c0_i32, %c0_i32_0 : i32, i32
  }
  func.func @transform_7(%arg0: i32) -> (i32, i32) {
    %c0_i32 = arith.constant 0 : i32
    %c0_i32_0 = arith.constant 0 : i32
    return %arg0, %c0_i32 : i32, i32
  }
  func.func @transform_8(%arg0: i32) -> (i32, i32) {
    %c0_i32 = arith.constant 0 : i32
    %c0_i32_0 = arith.constant 0 : i32
    return %arg0, %c0_i32 : i32, i32
  }
}

</mosaic_0001>

<sc_bundles>
// kernel: kernel.12.cloned.1.call-start
scs
__scs_entry_jumppad:
0x0: {  	(pc) =	sbr.rel $0x88, $3  }
0x1: {  	(tag) =	ssettag $0x0;
	lr =	simm.s32 $0x1  }
0x2: {  	[smem:$0x3F8F] =	sst lr;
	_ =	strace $0xD0000000  }
0x3: {  	_ = 	snop  }
0x4: {  	_ = 	snop  }
0x5: {  	_ = 	snop  }
0x6: {  	_ = 	snop  }
0x7: {  	_ = 	snop  }
__scs_overlays_trampoline_lowered:
0x8: {  	[smem:$0x3F9E] =	sst s0  }
0x9: {  	[smem:$0x3F9F] =	sst s1  }
0xa: {  	[smem:$0x3FA0] =	sst s2  }
0xb: {  	[smem:$0x3FA1] =	sst s3  }
0xc: {  	[smem:$0x3FA2] =	sst s4  }
0xd: {  	[smem:$0x3FA3] =	sst s5  }
0xe: {  	[smem:$0x3FA4] =	sst s6  }
0xf: {  	[smem:$0x3FA5] =	sst s7  }
0x10: {  	[smem:$0x3FA6] =	sst s8  }
0x11: {  	[smem:$0x3FA7] =	sst s9;
	s0 =	simm.s32 @!p0 $0x0  }
0x12: {  	s1 =	sld [smem:$0x3F8D];
	s0 =	simm.s32 @p0 $0x1  }
0x13: {  	[smem:$0x3FA8] =	sst s0;
	s0 =	simm.s32 @!p1 $0x0  }
0x14: {  	s2 =	sld [smem:$0x3F8C];
	s0 =	simm.s32 @p1 $0x1  }
0x15: {  	[smem:$0x3FA9] =	sst s0;
	s0 =	simm.s32 @!p2 $0x0  }
0x16: {  	s3 =	sld [smem:$0x3FDB];
	s0 =	simm.s32 @p2 $0x1  }
0x17: {  	s4 =	simm.s32 $0x1BF5;
	[smem:$0x3FAB] =	sst s0  }
0x18: {  	s0 =	sld [smem:$0x3F8E];
	_ =	swait.ge [sflag:s4], $0x0  }
0x19: {  	s7 =	sld [smem:$0x3F8F]  }
0x1a: {  	s8 =	sadd.s32 $0xFFFFE003, lr  }
0x1b: {  	s9 =	sadd.s32 $0xFFFFFEF7, lr;
	s5 =	simm.s32 $0xFFFFFFFF;
	p2 =	slt.u32 s8, $0xFFFFF086  }
0x1c: {  	p1 =	slt.u32 s9, $0xF7A;
	s5 =	simm.s32 @!p2 $0x0  }
0x1d: {  	s5 =	simm.s32 @p1 $0x1;
	p0 =	seq.s32 s7, s2  }
0x1e: {  	s7 =	smul.u32 @!p0 $0xF7A, s2;
	p2 =	seq.s32 @!p0 s5, $0x0  }
0x1f: {  	s9 =	smul.u32 $0xF7A, s1;
	s8 =	simm.s32 @!p0 $0x1BF5;
	p2 =	por !p2, p0  }
0x20: {  	[sflag:s8] =	ssyncset.s32 @!p0 $0xFFFFF086;
	s6 =	sadd.s32 @!p0 s3, s7;
	s7 =	simm.s32 @!p0 $0x108  }
0x21: {  	s3 =	sadd.s32 s3, s9;
	s6 =	sadd.s32 @!p0 $0x88, s6;
	s7 =	simm.s32 @p2 $0x1082  }
0x22: {  	[simem:s7], [sflag:s8] =	dma.local @!p0 [hbm:s6], $0xF7A  }
0x23: {  	s9 =	sor.u32 $0xD0000000, s2;
	s6 =	simm.s32 $0x108;
	_ =	swait.ge @!p0 [sflag:s8], $0x0  }
0x24: {  	s3 =	sadd.s32 $0x88, s3;
	s6 =	simm.s32 @!p1 $0x1082;
	[sflag:s4] =	ssyncset.s32 $0xFFFFF086  }
0x25: {  	[simem:s6], [sflag:s4] =	dma.local [hbm:s3], $0xF7A  }
0x26: {  	[smem:$0x3F8F] =	sst s1;
	(tag) =	ssettag s2;
	_ =	strace s9  }
0x27: {  	s1 =	sld [smem:$0x3F9F]  }
0x28: {  	s2 =	sld [smem:$0x3FA0]  }
0x29: {  	s4 =	sld [smem:$0x3FA2]  }
0x2a: {  	p0 =	seq.s32 s5, $0x0;
	s5 =	sld [smem:$0x3FA3]  }
0x2b: {  	s6 =	sld [smem:$0x3FA4]  }
0x2c: {  	s7 =	sld [smem:$0x3FA5]  }
0x2d: {  	s3 =	simm.s32 $0x108;
	s8 =	sld [smem:$0x3FA6]  }
0x2e: {  	s3 =	simm.s32 @!p0 $0x1082;
	s9 =	sld [smem:$0x3FA7]  }
0x2f: {  	lr =	sadd.s32 s0, s3;
	s0 =	sld [smem:$0x3F9E]  }
0x30: {  	s3 =	sld [smem:$0x3FA1]  }
0x31: {  	[smem:$0x3FAA] =	sst s10  }
0x32: {  	s10 =	sld [smem:$0x3FA8];
	_ =	sdelay $0x3  }
0x33: {  	p0 =	seq.s32 s10, $0x1;
	s10 =	sld [smem:$0x3FAA];
	_ =	sdelay $0x3  }
0x34: {  	[smem:$0x3FAA] =	sst s10  }
0x35: {  	s10 =	sld [smem:$0x3FA9];
	_ =	sdelay $0x3  }
0x36: {  	p1 =	seq.s32 s10, $0x1;
	s10 =	sld [smem:$0x3FAA];
	_ =	sdelay $0x3  }
0x37: {  	[smem:$0x3FAA] =	sst s10  }
0x38: {  	s10 =	sld [smem:$0x3FAB]  }
0x39: {  	_ = 	snop;
	(pc) =	sbr.ind lr, $3  }
0x3a: {  	_ = 	snop  }
0x3b: {  	_ = 	snop  }
0x3c: {  	p2 =	seq.s32 s10, $0x1;
	s10 =	sld [smem:$0x3FAA]  }
0x3d: {  	_ =	shalt  }
0x3e: {  	_ =	shalt  }
0x3f: {  	_ =	shalt  }
0x40: {  	_ =	shalt  }
0x41: {  	_ =	shalt  }
0x42: {  	_ =	shalt  }
0x43: {  	_ =	shalt  }
0x44: {  	_ =	shalt  }
0x45: {  	_ =	shalt  }
0x46: {  	_ =	shalt  }
0x47: {  	_ =	shalt  }
0x48: {  	_ =	shalt  }
0x49: {  	_ =	shalt  }
0x4a: {  	_ =	shalt  }
0x4b: {  	_ =	shalt  }
0x4c: {  	_ =	shalt  }
0x4d: {  	_ =	shalt  }
0x4e: {  	_ =	shalt  }
0x4f: {  	_ =	shalt  }
0x50: {  	_ =	shalt  }
0x51: {  	_ =	shalt  }
0x52: {  	_ =	shalt  }
0x53: {  	_ =	shalt  }
0x54: {  	_ =	shalt  }
0x55: {  	_ =	shalt  }
0x56: {  	_ =	shalt  }
0x57: {  	_ =	shalt  }
0x58: {  	_ =	shalt  }
0x59: {  	_ =	shalt  }
0x5a: {  	_ =	shalt  }
0x5b: {  	_ =	shalt  }
0x5c: {  	_ =	shalt  }
0x5d: {  	_ =	shalt  }
0x5e: {  	_ =	shalt  }
0x5f: {  	_ =	shalt  }
0x60: {  	_ =	shalt  }
0x61: {  	_ =	shalt  }
0x62: {  	_ =	shalt  }
0x63: {  	_ =	shalt  }
0x64: {  	_ =	shalt  }
0x65: {  	_ =	shalt  }
0x66: {  	_ =	shalt  }
0x67: {  	_ =	shalt  }
0x68: {  	_ =	shalt  }
0x69: {  	_ =	shalt  }
0x6a: {  	_ =	shalt  }
0x6b: {  	_ =	shalt  }
0x6c: {  	_ =	shalt  }
0x6d: {  	_ =	shalt  }
0x6e: {  	_ =	shalt  }
0x6f: {  	_ =	shalt  }
0x70: {  	_ =	shalt  }
0x71: {  	_ =	shalt  }
0x72: {  	_ =	shalt  }
0x73: {  	_ =	shalt  }
0x74: {  	_ =	shalt  }
0x75: {  	_ =	shalt  }
0x76: {  	_ =	shalt  }
0x77: {  	_ =	shalt  }
0x78: {  	_ =	shalt  }
0x79: {  	_ =	shalt  }
0x7a: {  	_ =	shalt  }
0x7b: {  	_ =	shalt  }
0x7c: {  	_ =	shalt  }
0x7d: {  	_ =	shalt  }
0x7e: {  	_ =	shalt  }
0x7f: {  	_ =	shalt  }
0x80: {  	_ =	shalt  }
0x81: {  	_ =	shalt  }
0x82: {  	_ =	shalt  }
0x83: {  	_ =	shalt  }
0x84: {  	_ =	shalt  }
0x85: {  	_ =	shalt  }
0x86: {  	_ =	shalt  }
0x87: {  	_ =	shalt  }
.Lfunc_end0:
.L_simem_size_0:
called_computation_lowered:
.L_overlay_start_0:
0x88: {  	s2 =	sld [smem:$0x3FD9]  }
0x89: {  	s3 =	sld [smem:$0x3FFE];
	_ =	sdelay $0x1  }
0x8a: {  	s1 =	srdreg.scid  }
0x8b: {  	s0 =	sand.u32 $0x1, s1  }
0x8c: {  	s17 =	sshll.u32 s0, $0xA;
	s2 =	sadd.s32 s3, s2  }
0x8d: {  	s2 =	sadd.s32 s2, s17  }
0x8e: {  	[smem:$0x3FB6] =	sst s2  }
0x8f: {  	_ = 	snop  }
0x90: {  	s2 =	sld [smem:$0x3FC5]  }
0x91: {  	s18 =	sld [smem:$0x3FD0];
	(tm) =	ssettm $0x1  }
0x92: {  	s4 =	sld [smem:$0x3FFB];
	_ =	sdelay $0x3  }
0x93: {  	_ =	strace s4  }
0x94: {  	s4 =	sld [smem:$0x3FFC];
	_ =	sdelay $0x3  }
0x95: {  	_ =	strace s4  }
0x96: {  	s4 =	sld [smem:$0x3FFD];
	_ =	sdelay $0x3  }
0x97: {  	_ =	strace s4  }
0x98: {  	_ =	strace $0x8FFFFFFF  }
0x99: {  	s19 =	sld [smem:$0x3FDB];
	_ =	sdelay $0x1  }
0x9a: {  	s5 =	simm.s32 $_scs_section_size  }
0x9b: {  	s6 =	simm.s32 $_size__tile_overlayer_lowered;
	s7 =	simm.s32 $_tile_overlayer_lowered  }
0x9c: {  	s22 =	simm.s32 $0x1BFF;
	s21 =	sshll.u32 s7, $0x1;
	s4 =	sadd.s32 s5, s19  }
0x9d: {  	s8 =	simm.s32 $0x0;
	s20 =	sshll.u32 s6, $0x1;
	s6 =	sadd.s32 s21, s4  }
0x9e: {  	[timem:s8], [sflag:s22] =	dma.local [hbm:s6], s20  }
0x9f: {  	_ =	swait.ge [sflag:s22], s20  }
0xa0: {  	s5 =	ssub.s32 $0x0, s20;
	[sflag:s22] =	ssyncset.done $0x0  }
0xa1: {  	[sflag:s22] =	ssyncadd.s32 s5;
	_ =	sdelay $0x1  }
0xa2: {  	s23 =	simm.s32 $0x1B8B  }
0xa3: {  	_ =	swait.ge [sflag:s23], $0x1  }
0xa4: {  	[sflag:s23] =	ssyncset.done $0x0  }
0xa5: {  	s25 =	simm.s32 $0x1B8E;
	s24 =	sld [smem:$0x3FFE];
	[sflag:s23] =	ssyncadd.s32 $0xFFFFFFFF  }
0xa6: {  	s26 =	simm.s32 $execute0_lowered;
	[smem:$0x3FD2] =	sst s25  }
0xa7: {  	s6 =	sshll.u32 s26, $0x1;
	_ =	strace $0x80000046;
	[dreg:$0x1] =	wrdreg $0xFFFFFFFF  }
0xa8: {  	s28 =	simm.s32 $_size_execute0_lowered;
	s4 =	sadd.s32 s4, s6;
	[dreg:$0x0] =	wrdreg $0x0  }
0xa9: {  	s6 =	sshll.u32 s28, $0x1;
	[dreg:$0x2] =	wrdreg s4  }
0xaa: {  	[dreg:$0x3] =	wrdreg s6  }
0xab: {  	[dreg:$0x4] =	wrdreg $0xC0  }
0xac: {  	_ =	task [dreg:s8], $0x5FFFF  }
0xad: {  	[dreg:$0x1] =	wrdreg $0xFFFFFFFF  }
0xae: {  	[dreg:$0x0] =	wrdreg $0x60  }
0xaf: {  	[dreg:$0x2] =	wrdreg s18  }
0xb0: {  	[dreg:$0x3] =	wrdreg s2  }
0xb1: {  	[dreg:$0x4] =	wrdreg s24  }
0xb2: {  	[dreg:$0x5] =	wrdreg $0x9  }
0xb3: {  	_ =	task.clear_ibuf [dreg:s8], $0x6FFFF;
	_ =	strace $0x90000046  }
0xb4: {  	s29 =	simm.s32 $0x9;
	_ =	strace $0x80000048  }
0xb5: {  	_ =	swait.ge [sflag:s29], $0x1  }
0xb6: {  	[sflag:s29] =	ssyncadd.s32 $0xFFFFFFFF  }
0xb7: {  	_ =	strace $0x90000048  }
0xb8: {  	_ =	sfence  }
0xb9: {  	s30 =	sld [smem:$0x0];
	_ =	sdelay $0x2  }
0xba: {  	s31 =	sshll.u32 s1, $0xD;
	s1 =	sshrl.u32 s1, $0x2  }
0xbb: {  	s3 =	sand.u32 $0x4000, s31;
	s1 =	sadd.s32 s1, s30  }
0xbc: {  	s0 =	sor.u32 s3, s0;
	s1 =	sshll.u32 s1, $0x11  }
0xbd: {  	s0 =	sor.u32 s1, s0  }
0xbe: {  	s0 =	sadd.s32 $0x8F2B, s0  }
0xbf: {  	[sflag:s0] =	ssyncadd.remote.s32 $0x1  }
0xc0: {  	_ =	sfence.sel $0xFFFF  }
0xc1: {  	[dreg:$0x0] =	wrdreg $0xFFFFFFFF;
	(pc) =	sbr.abs _section_cstart, $3  }
0xc2: {  	[dreg:$0x1] =	wrdreg $0xFFFFFFFF  }
0xc3: {  	_ =	task.clear_ibuf [dreg:s8], $0x2FFFF;
	_ =	strace $0x9FFFFFFF  }
0xc4: {  	(tm) =	ssettm $0x7FFFFFFF  }
0xc5: {  	_ =	shalt  }
tec
execute0_lowered:
.L_overlay_start_1:
0x0: {  	(tag) =	ssettag $0x1  }
0x1: {  	s4 =	rddreg [dreg:$0x0];
	s0 =	srdreg.scid  }
0x2: {  	s2 =	rddreg [dreg:$0x1];
	s14 =	sand.u32 $0x1, s0  }
0x3: {  	s9 =	rddreg [dreg:$0x2];
	s1 =	stileid.u32;
	s5 =	sshll.u32 s14, $0x4  }
0x4: {  	s3 =	simm.s32 $0x0;
	s0 =	rddreg [dreg:$0x3];
	s6 =	sor.u32 s1, s5  }
0x5: {  	[smem:$0x7FF] =	sst s3;
	s5 =	sshll.u32 s6, $0x6  }
0x6: {  	_ =	strace $0x80000047;
	s5 =	sadd.s32 s4, s5;
	s4 =	simm.s32 $0x2  }
0x7: {  	[tilespmem:s3], [sflag:$0x2] =	stream.linear.gather [hbm4b:s5+s3], $0x200, $0x38;
	[tilespmem:$0x2A00] =	vst v63  }
0x8: {  	_ =	swait.ge [sflag:s4], $0x200  }
0x9: {  	s7 =	simm.s32 $0x200;
	s8 =	simm.s32 $0x1;
	[sflag:s4] =	ssyncset.done $0x0  }
0xa: {  	s10 =	smul.u32 $0x1400, s6;
	s6 =	simm.s32 $0x50;
	[sflag:s4] =	ssyncadd.s32 $0xFFFFFE00  }
0xb: {  	[tilespmem:s7], [sflag:$0x1] =	stream.indirect.gather [hbm4b:s2+s6], $0x80, s3, s6, $0xb8;
	[tilespmem:$0x2A00] =	vst v63  }
0xc: {  	_ =	swait.ge [sflag:s8], $0x2800  }
0xd: {  	s15 =	sadd.s32 s10, s9;
	[sflag:s8] =	ssyncset.done $0x0  }
0xe: {  	s9 =	sadd.s32 $0x6000, s15;
	[sflag:s8] =	ssyncadd.s32 $0xFFFFD800  }
0xf: {  	[hbm4b:s9+s3] =	stream.linear.scatter [tilespmem:s7], [sflag:$0x2], $0x2800, $0x38;
	[tilespmem:$0x2A00] =	vst v63  }
0x10: {  	_ =	swait.ge [sflag:s4], $0x2800  }
0x11: {  	[sflag:s4] =	ssyncset.done $0x0  }
0x12: {  	s10 =	simm.s32 $0x80;
	[sflag:s4] =	ssyncadd.s32 $0xFFFFD800  }
0x13: {  	[tilespmem:s7], [sflag:$0x1] =	stream.indirect.gather [hbm4b:s2+s6], $0x80, s10, s6, $0xb8;
	[tilespmem:$0x2A00] =	vst v63  }
0x14: {  	_ =	swait.ge [sflag:s8], $0x2800  }
0x15: {  	[sflag:s8] =	ssyncset.done $0x0  }
0x16: {  	s11 =	sadd.s32 $0x6500, s15;
	[sflag:s8] =	ssyncadd.s32 $0xFFFFD800  }
0x17: {  	[hbm4b:s11+s3] =	stream.linear.scatter [tilespmem:s7], [sflag:$0x2], $0x2800, $0x38;
	[tilespmem:$0x2A00] =	vst v63  }
0x18: {  	_ =	swait.ge [sflag:s4], $0x2800  }
0x19: {  	[sflag:s4] =	ssyncset.done $0x0  }
0x1a: {  	s12 =	simm.s32 $0x100;
	[sflag:s4] =	ssyncadd.s32 $0xFFFFD800  }
0x1b: {  	[tilespmem:s7], [sflag:$0x1] =	stream.indirect.gather [hbm4b:s2+s6], $0x80, s12, s6, $0xb8;
	[tilespmem:$0x2A00] =	vst v63  }
0x1c: {  	_ =	swait.ge [sflag:s8], $0x2800  }
0x1d: {  	[sflag:s8] =	ssyncset.done $0x0  }
0x1e: {  	s16 =	ssub.s32 $0x2, s14;
	s13 =	sadd.s32 $0x6A00, s15;
	[sflag:s8] =	ssyncadd.s32 $0xFFFFD800  }
0x1f: {  	[hbm4b:s13+s3] =	stream.linear.scatter [tilespmem:s7], [sflag:$0x2], $0x2800, $0x38;
	[tilespmem:$0x2A00] =	vst v63  }
0x20: {  	s17 =	sshrl.u32 s16, $0x1;
	_ =	swait.ge [sflag:s4], $0x2800  }
0x21: {  	s16 =	ssub.s32 s16, s17;
	[sflag:s4] =	ssyncset.done $0x0  }
0x22: {  	s14 =	simm.s32 $0x180;
	s16 =	smax.u32 s16, $0x1;
	[sflag:s4] =	ssyncadd.s32 $0xFFFFD800  }
0x23: {  	[tilespmem:s7], [sflag:$0x1] =	stream.indirect.gather [hbm4b:s2+s6], $0x80, s14, s6, $0xb8;
	[tilespmem:$0x2A00] =	vst v63  }
0x24: {  	p0 =	sne.s32 s16, $0x1;
	_ =	swait.ge [sflag:s8], $0x2800  }
.Ltmp0:
0x25: {  	[sflag:s8] =	ssyncset.done $0x0;
	(pc) =	sbr.rel @!p0 .LBB2_2-.Ltmp0, $4  }
0x26: {  	s15 =	sadd.s32 $0x6F00, s15;
	[sflag:s8] =	ssyncadd.s32 $0xFFFFD800  }
0x27: {  	[hbm4b:s15+s3] =	stream.linear.scatter [tilespmem:s7], [sflag:$0x2], $0x2800, $0x38;
	[tilespmem:$0x2A00] =	vst v63  }
0x28: {  	_ =	swait.ge [sflag:s4], $0x2800  }
0x29: {  	s16 =	sadd.s32 $0xFFFFFFFF, s16;
	[sflag:s4] =	ssyncset.done $0x0  }
.LBB2_1:
0x2a: {  	p0 =	sne.s32 s16, $0x1;
	s16 =	sadd.s32 $0xFFFFFFFF, s16;
	[sflag:s4] =	ssyncadd.s32 $0xFFFFD800  }
0x2b: {  	[tilespmem:s3], [sflag:$0x2] =	stream.linear.gather [hbm4b:s5+s3], $0x200, $0x38;
	[tilespmem:$0x2A00] =	vst v63  }
0x2c: {  	_ =	swait.ge [sflag:s4], $0x200  }
0x2d: {  	[sflag:s4] =	ssyncset.done $0x0  }
0x2e: {  	[sflag:s4] =	ssyncadd.s32 $0xFFFFFE00  }
0x2f: {  	[tilespmem:s7], [sflag:$0x1] =	stream.indirect.gather [hbm4b:s2+s6], $0x80, s3, s6, $0xb8;
	[tilespmem:$0x2A00] =	vst v63  }
0x30: {  	_ =	swait.ge [sflag:s8], $0x2800  }
0x31: {  	[sflag:s8] =	ssyncset.done $0x0  }
0x32: {  	[sflag:s8] =	ssyncadd.s32 $0xFFFFD800  }
0x33: {  	[hbm4b:s9+s3] =	stream.linear.scatter [tilespmem:s7], [sflag:$0x2], $0x2800, $0x38;
	[tilespmem:$0x2A00] =	vst v63  }
0x34: {  	_ =	swait.ge [sflag:s4], $0x2800  }
0x35: {  	[sflag:s4] =	ssyncset.done $0x0  }
0x36: {  	[sflag:s4] =	ssyncadd.s32 $0xFFFFD800  }
0x37: {  	[tilespmem:s7], [sflag:$0x1] =	stream.indirect.gather [hbm4b:s2+s6], $0x80, s10, s6, $0xb8;
	[tilespmem:$0x2A00] =	vst v63  }
0x38: {  	_ =	swait.ge [sflag:s8], $0x2800  }
0x39: {  	[sflag:s8] =	ssyncset.done $0x0  }
0x3a: {  	[sflag:s8] =	ssyncadd.s32 $0xFFFFD800  }
0x3b: {  	[hbm4b:s11+s3] =	stream.linear.scatter [tilespmem:s7], [sflag:$0x2], $0x2800, $0x38;
	[tilespmem:$0x2A00] =	vst v63  }
0x3c: {  	_ =	swait.ge [sflag:s4], $0x2800  }
0x3d: {  	[sflag:s4] =	ssyncset.done $0x0  }
0x3e: {  	[sflag:s4] =	ssyncadd.s32 $0xFFFFD800  }
0x3f: {  	[tilespmem:s7], [sflag:$0x1] =	stream.indirect.gather [hbm4b:s2+s6], $0x80, s12, s6, $0xb8;
	[tilespmem:$0x2A00] =	vst v63  }
0x40: {  	_ =	swait.ge [sflag:s8], $0x2800  }
0x41: {  	[sflag:s8] =	ssyncset.done $0x0  }
0x42: {  	[sflag:s8] =	ssyncadd.s32 $0xFFFFD800  }
0x43: {  	[hbm4b:s13+s3] =	stream.linear.scatter [tilespmem:s7], [sflag:$0x2], $0x2800, $0x38;
	[tilespmem:$0x2A00] =	vst v63  }
0x44: {  	_ =	swait.ge [sflag:s4], $0x2800  }
0x45: {  	[sflag:s4] =	ssyncset.done $0x0  }
0x46: {  	[sflag:s4] =	ssyncadd.s32 $0xFFFFD800  }
0x47: {  	[tilespmem:s7], [sflag:$0x1] =	stream.indirect.gather [hbm4b:s2+s6], $0x80, s14, s6, $0xb8;
	[tilespmem:$0x2A00] =	vst v63  }
0x48: {  	_ =	swait.ge [sflag:s8], $0x2800  }
.Ltmp1:
0x49: {  	[sflag:s8] =	ssyncset.done $0x0;
	(pc) =	sbr.rel @p0 .LBB2_1-.Ltmp1, $4  }
0x4a: {  	[sflag:s8] =	ssyncadd.s32 $0xFFFFD800  }
0x4b: {  	[hbm4b:s15+s3] =	stream.linear.scatter [tilespmem:s7], [sflag:$0x2], $0x2800, $0x38;
	[tilespmem:$0x2A00] =	vst v63  }
0x4c: {  	_ =	swait.ge [sflag:s4], $0x2800  }
0x4d: {  	[sflag:s4] =	ssyncset.done $0x0  }
.LBB2_2:
0x4e: {  	[sflag:s4] =	ssyncadd.s32 $0xFFFFD800  }
0x4f: {  	_ =	sfence.sel $0x180000  }
0x50: {  	[bflag:$0x0] =	sbarrier.arrive $0xFFFF  }
0x51: {  	p0 =	sne.s32 s1, $0x0;
	_ =	strace $0x90000047  }
0x52: {  	s0 =	sadd.s32 @!p0 $0x100000, s0;
	[bflag:$0x2] =	sbarrier.arrive $0xFFFF  }
0x53: {  	[sflag:s0] =	ssyncadd.tile.s32 @!p0 $0x1;
	_ =	shalt  }
.Lfunc_end2:
_tile_overlayer_lowered:
.L_overlay_start_2:
0x54: {  	(tag) =	ssettag $0x2  }
0x55: {  	s0 =	rddreg [dreg:$0x0];
	s2 =	stileid.u32  }
0x56: {  	s1 =	rddreg [dreg:$0x1];
	p0 =	sne.s32 s2, $0x0  }
0x57: {  	s3 =	rddreg [dreg:$0x2];
	[bflag:$0x3] =	sbarrier.arrive $0xFFFF;
	s2 =	simm.s32 @!p0 $0x1C02  }
0x58: {  	[timem:s3], [sflag:s2] =	dma.local @!p0 [hbm:s0], s1  }
0x59: {  	s0 =	simm.s32 @!p0 $0x2  }
0x5a: {  	_ =	swait.ge @!p0 [sflag:s0], s1  }
0x5b: {  	s1 =	ssub.s32 @!p0 $0x0, s1;
	[sflag:s0] =	ssyncset.done @!p0 $0x0  }
0x5c: {  	[sflag:s0] =	ssyncadd.s32 @!p0 s1  }
0x5d: {  	[bflag:$0x3] =	sbarrier.arrive $0xFFFF  }
0x5e: {  	_ =	shalt  }

// kernel: kernel.15.cloned.1.call-start
scs
__scs_entry_jumppad:
0x0: {  	(pc) =	sbr.rel $0x88, $3  }
0x1: {  	(tag) =	ssettag $0x0;
	lr =	simm.s32 $0x1  }
0x2: {  	[smem:$0x3F8F] =	sst lr;
	_ =	strace $0xD0000000  }
0x3: {  	_ = 	snop  }
0x4: {  	_ = 	snop  }
0x5: {  	_ = 	snop  }
0x6: {  	_ = 	snop  }
0x7: {  	_ = 	snop  }
__scs_overlays_trampoline_lowered:
0x8: {  	[smem:$0x3F9E] =	sst s0  }
0x9: {  	[smem:$0x3F9F] =	sst s1  }
0xa: {  	[smem:$0x3FA0] =	sst s2  }
0xb: {  	[smem:$0x3FA1] =	sst s3  }
0xc: {  	[smem:$0x3FA2] =	sst s4  }
0xd: {  	[smem:$0x3FA3] =	sst s5  }
0xe: {  	[smem:$0x3FA4] =	sst s6  }
0xf: {  	[smem:$0x3FA5] =	sst s7  }
0x10: {  	[smem:$0x3FA6] =	sst s8  }
0x11: {  	[smem:$0x3FA7] =	sst s9;
	s0 =	simm.s32 @!p0 $0x0  }
0x12: {  	s1 =	sld [smem:$0x3F8D];
	s0 =	simm.s32 @p0 $0x1  }
0x13: {  	[smem:$0x3FA8] =	sst s0;
	s0 =	simm.s32 @!p1 $0x0  }
0x14: {  	s2 =	sld [smem:$0x3F8C];
	s0 =	simm.s32 @p1 $0x1  }
0x15: {  	[smem:$0x3FA9] =	sst s0;
	s0 =	simm.s32 @!p2 $0x0  }
0x16: {  	s3 =	sld [smem:$0x3FDB];
	s0 =	simm.s32 @p2 $0x1  }
0x17: {  	s4 =	simm.s32 $0x1BF5;
	[smem:$0x3FAB] =	sst s0  }
0x18: {  	s0 =	sld [smem:$0x3F8E];
	_ =	swait.ge [sflag:s4], $0x0  }
0x19: {  	s7 =	sld [smem:$0x3F8F]  }
0x1a: {  	s8 =	sadd.s32 $0xFFFFE003, lr  }
0x1b: {  	s9 =	sadd.s32 $0xFFFFFEF7, lr;
	s5 =	simm.s32 $0xFFFFFFFF;
	p2 =	slt.u32 s8, $0xFFFFF086  }
0x1c: {  	p1 =	slt.u32 s9, $0xF7A;
	s5 =	simm.s32 @!p2 $0x0  }
0x1d: {  	s5 =	simm.s32 @p1 $0x1;
	p0 =	seq.s32 s7, s2  }
0x1e: {  	s7 =	smul.u32 @!p0 $0xF7A, s2;
	p2 =	seq.s32 @!p0 s5, $0x0  }
0x1f: {  	s9 =	smul.u32 $0xF7A, s1;
	s8 =	simm.s32 @!p0 $0x1BF5;
	p2 =	por !p2, p0  }
0x20: {  	[sflag:s8] =	ssyncset.s32 @!p0 $0xFFFFF086;
	s6 =	sadd.s32 @!p0 s3, s7;
	s7 =	simm.s32 @!p0 $0x108  }
0x21: {  	s3 =	sadd.s32 s3, s9;
	s6 =	sadd.s32 @!p0 $0x88, s6;
	s7 =	simm.s32 @p2 $0x1082  }
0x22: {  	[simem:s7], [sflag:s8] =	dma.local @!p0 [hbm:s6], $0xF7A  }
0x23: {  	s9 =	sor.u32 $0xD0000000, s2;
	s6 =	simm.s32 $0x108;
	_ =	swait.ge @!p0 [sflag:s8], $0x0  }
0x24: {  	s3 =	sadd.s32 $0x88, s3;
	s6 =	simm.s32 @!p1 $0x1082;
	[sflag:s4] =	ssyncset.s32 $0xFFFFF086  }
0x25: {  	[simem:s6], [sflag:s4] =	dma.local [hbm:s3], $0xF7A  }
0x26: {  	[smem:$0x3F8F] =	sst s1;
	(tag) =	ssettag s2;
	_ =	strace s9  }
0x27: {  	s1 =	sld [smem:$0x3F9F]  }
0x28: {  	s2 =	sld [smem:$0x3FA0]  }
0x29: {  	s4 =	sld [smem:$0x3FA2]  }
0x2a: {  	p0 =	seq.s32 s5, $0x0;
	s5 =	sld [smem:$0x3FA3]  }
0x2b: {  	s6 =	sld [smem:$0x3FA4]  }
0x2c: {  	s7 =	sld [smem:$0x3FA5]  }
0x2d: {  	s3 =	simm.s32 $0x108;
	s8 =	sld [smem:$0x3FA6]  }
0x2e: {  	s3 =	simm.s32 @!p0 $0x1082;
	s9 =	sld [smem:$0x3FA7]  }
0x2f: {  	lr =	sadd.s32 s0, s3;
	s0 =	sld [smem:$0x3F9E]  }
0x30: {  	s3 =	sld [smem:$0x3FA1]  }
0x31: {  	[smem:$0x3FAA] =	sst s10  }
0x32: {  	s10 =	sld [smem:$0x3FA8];
	_ =	sdelay $0x3  }
0x33: {  	p0 =	seq.s32 s10, $0x1;
	s10 =	sld [smem:$0x3FAA];
	_ =	sdelay $0x3  }
0x34: {  	[smem:$0x3FAA] =	sst s10  }
0x35: {  	s10 =	sld [smem:$0x3FA9];
	_ =	sdelay $0x3  }
0x36: {  	p1 =	seq.s32 s10, $0x1;
	s10 =	sld [smem:$0x3FAA];
	_ =	sdelay $0x3  }
0x37: {  	[smem:$0x3FAA] =	sst s10  }
0x38: {  	s10 =	sld [smem:$0x3FAB]  }
0x39: {  	_ = 	snop;
	(pc) =	sbr.ind lr, $3  }
0x3a: {  	_ = 	snop  }
0x3b: {  	_ = 	snop  }
0x3c: {  	p2 =	seq.s32 s10, $0x1;
	s10 =	sld [smem:$0x3FAA]  }
0x3d: {  	_ =	shalt  }
0x3e: {  	_ =	shalt  }
0x3f: {  	_ =	shalt  }
0x40: {  	_ =	shalt  }
0x41: {  	_ =	shalt  }
0x42: {  	_ =	shalt  }
0x43: {  	_ =	shalt  }
0x44: {  	_ =	shalt  }
0x45: {  	_ =	shalt  }
0x46: {  	_ =	shalt  }
0x47: {  	_ =	shalt  }
0x48: {  	_ =	shalt  }
0x49: {  	_ =	shalt  }
0x4a: {  	_ =	shalt  }
0x4b: {  	_ =	shalt  }
0x4c: {  	_ =	shalt  }
0x4d: {  	_ =	shalt  }
0x4e: {  	_ =	shalt  }
0x4f: {  	_ =	shalt  }
0x50: {  	_ =	shalt  }
0x51: {  	_ =	shalt  }
0x52: {  	_ =	shalt  }
0x53: {  	_ =	shalt  }
0x54: {  	_ =	shalt  }
0x55: {  	_ =	shalt  }
0x56: {  	_ =	shalt  }
0x57: {  	_ =	shalt  }
0x58: {  	_ =	shalt  }
0x59: {  	_ =	shalt  }
0x5a: {  	_ =	shalt  }
0x5b: {  	_ =	shalt  }
0x5c: {  	_ =	shalt  }
0x5d: {  	_ =	shalt  }
0x5e: {  	_ =	shalt  }
0x5f: {  	_ =	shalt  }
0x60: {  	_ =	shalt  }
0x61: {  	_ =	shalt  }
0x62: {  	_ =	shalt  }
0x63: {  	_ =	shalt  }
0x64: {  	_ =	shalt  }
0x65: {  	_ =	shalt  }
0x66: {  	_ =	shalt  }
0x67: {  	_ =	shalt  }
0x68: {  	_ =	shalt  }
0x69: {  	_ =	shalt  }
0x6a: {  	_ =	shalt  }
0x6b: {  	_ =	shalt  }
0x6c: {  	_ =	shalt  }
0x6d: {  	_ =	shalt  }
0x6e: {  	_ =	shalt  }
0x6f: {  	_ =	shalt  }
0x70: {  	_ =	shalt  }
0x71: {  	_ =	shalt  }
0x72: {  	_ =	shalt  }
0x73: {  	_ =	shalt  }
0x74: {  	_ =	shalt  }
0x75: {  	_ =	shalt  }
0x76: {  	_ =	shalt  }
0x77: {  	_ =	shalt  }
0x78: {  	_ =	shalt  }
0x79: {  	_ =	shalt  }
0x7a: {  	_ =	shalt  }
0x7b: {  	_ =	shalt  }
0x7c: {  	_ =	shalt  }
0x7d: {  	_ =	shalt  }
0x7e: {  	_ =	shalt  }
0x7f: {  	_ =	shalt  }
0x80: {  	_ =	shalt  }
0x81: {  	_ =	shalt  }
0x82: {  	_ =	shalt  }
0x83: {  	_ =	shalt  }
0x84: {  	_ =	shalt  }
0x85: {  	_ =	shalt  }
0x86: {  	_ =	shalt  }
0x87: {  	_ =	shalt  }
.Lfunc_end0:
.L_simem_size_0:
called_computation.1_lowered:
.L_overlay_start_0:
0x88: {  	s2 =	sld [smem:$0x3FD9]  }
0x89: {  	s3 =	sld [smem:$0x3FFE];
	_ =	sdelay $0x1  }
0x8a: {  	s1 =	srdreg.scid  }
0x8b: {  	s0 =	sand.u32 $0x1, s1  }
0x8c: {  	s16 =	sshll.u32 s0, $0xA;
	s2 =	sadd.s32 s3, s2  }
0x8d: {  	s2 =	sadd.s32 s2, s16  }
0x8e: {  	[smem:$0x3FB6] =	sst s2  }
0x8f: {  	_ = 	snop  }
0x90: {  	(tm) =	ssettm $0x1  }
0x91: {  	s17 =	sld [smem:$0x3FFB];
	_ =	sdelay $0x3  }
0x92: {  	_ =	strace s17  }
0x93: {  	s2 =	sld [smem:$0x3FFC];
	_ =	sdelay $0x3  }
0x94: {  	_ =	strace s2  }
0x95: {  	s2 =	sld [smem:$0x3FFD];
	_ =	sdelay $0x3  }
0x96: {  	_ =	strace s2  }
0x97: {  	_ =	strace $0x8FFFFFFF  }
0x98: {  	s18 =	sld [smem:$0x3FDB];
	_ =	sdelay $0x1  }
0x99: {  	s19 =	simm.s32 $_scs_section_size  }
0x9a: {  	s4 =	simm.s32 $_size__tile_overlayer_lowered;
	s5 =	simm.s32 $_tile_overlayer_lowered  }
0x9b: {  	s22 =	simm.s32 $0x1BFF;
	s21 =	sshll.u32 s5, $0x1;
	s2 =	sadd.s32 s19, s18  }
0x9c: {  	s6 =	simm.s32 $0x0;
	s20 =	sshll.u32 s4, $0x1;
	s4 =	sadd.s32 s21, s2  }
0x9d: {  	[timem:s6], [sflag:s22] =	dma.local [hbm:s4], s20  }
0x9e: {  	_ =	swait.ge [sflag:s22], s20  }
0x9f: {  	s3 =	ssub.s32 $0x0, s20;
	[sflag:s22] =	ssyncset.done $0x0  }
0xa0: {  	[sflag:s22] =	ssyncadd.s32 s3;
	_ =	sdelay $0x1  }
0xa1: {  	s23 =	simm.s32 $0x1B8B  }
0xa2: {  	_ =	swait.ge [sflag:s23], $0x1  }
0xa3: {  	[sflag:s23] =	ssyncset.done $0x0  }
0xa4: {  	s25 =	simm.s32 $0x1B8E;
	s24 =	sld [smem:$0x3FFE];
	[sflag:s23] =	ssyncadd.s32 $0xFFFFFFFF  }
0xa5: {  	s26 =	simm.s32 $execute0_lowered;
	[smem:$0x3FD2] =	sst s25  }
0xa6: {  	s4 =	sshll.u32 s26, $0x1;
	_ =	strace $0x80000049;
	[dreg:$0x1] =	wrdreg $0xFFFFFFFF  }
0xa7: {  	s28 =	simm.s32 $_size_execute0_lowered;
	s2 =	sadd.s32 s2, s4;
	[dreg:$0x0] =	wrdreg $0x0  }
0xa8: {  	s4 =	sshll.u32 s28, $0x1;
	[dreg:$0x2] =	wrdreg s2  }
0xa9: {  	[dreg:$0x3] =	wrdreg s4  }
0xaa: {  	[dreg:$0x4] =	wrdreg $0xC0  }
0xab: {  	_ =	task [dreg:s6], $0x5FFFF  }
0xac: {  	[dreg:$0x1] =	wrdreg $0xFFFFFFFF  }
0xad: {  	[dreg:$0x0] =	wrdreg $0x60  }
0xae: {  	[dreg:$0x2] =	wrdreg s24  }
0xaf: {  	[dreg:$0x3] =	wrdreg $0x9  }
0xb0: {  	_ =	task.clear_ibuf [dreg:s6], $0x4FFFF;
	_ =	strace $0x90000049  }
0xb1: {  	s29 =	simm.s32 $0x9;
	_ =	strace $0x8000004B  }
0xb2: {  	_ =	swait.ge [sflag:s29], $0x1  }
0xb3: {  	[sflag:s29] =	ssyncadd.s32 $0xFFFFFFFF  }
0xb4: {  	_ =	strace $0x9000004B  }
0xb5: {  	_ =	sfence  }
0xb6: {  	s30 =	sld [smem:$0x0];
	_ =	sdelay $0x2  }
0xb7: {  	s31 =	sshll.u32 s1, $0xD;
	s1 =	sshrl.u32 s1, $0x2  }
0xb8: {  	s3 =	sand.u32 $0x4000, s31;
	s1 =	sadd.s32 s1, s30  }
0xb9: {  	s0 =	sor.u32 s3, s0;
	s1 =	sshll.u32 s1, $0x11  }
0xba: {  	s0 =	sor.u32 s1, s0  }
0xbb: {  	s0 =	sadd.s32 $0x8F2B, s0  }
0xbc: {  	[sflag:s0] =	ssyncadd.remote.s32 $0x1  }
0xbd: {  	_ =	sfence.sel $0xFFFF  }
0xbe: {  	[dreg:$0x0] =	wrdreg $0xFFFFFFFF;
	(pc) =	sbr.abs _section_cstart, $3  }
0xbf: {  	[dreg:$0x1] =	wrdreg $0xFFFFFFFF  }
0xc0: {  	_ =	task.clear_ibuf [dreg:s6], $0x2FFFF;
	_ =	strace $0x9FFFFFFF  }
0xc1: {  	(tm) =	ssettm $0x7FFFFFFF  }
tec
execute0_lowered:
.L_overlay_start_1:
0x0: {  	(tag) =	ssettag $0x1  }
0x1: {  	s4 =	rddreg [dreg:$0x0]  }
0x2: {  	s0 =	rddreg [dreg:$0x1];
	s2 =	simm.s32 $0x0;
	s3 =	srdreg.scid  }
0x3: {  	s1 =	stileid.u32;
	s10 =	simm.s32 $0x1;
	s11 =	simm.s32 $0x0  }
0x4: {  	[smem:$0x7FF] =	sst s2;
	s3 =	sand.u32 $0x1, s3;
	s5 =	sshll.u32 s1, $0xB  }
0x5: {  	s9 =	smul.u32 $0x27100, s1;
	_ =	strace $0x8000004A;
	s6 =	sshll.u32 s3, $0xF  }
0x6: {  	s31 =	smul.u32 $0x271000, s3;
	s7 =	ssub.s32 $0x2, s3;
	s5 =	sor.u32 s5, s6  }
0x7: {  	s3 =	sadd.s32 $0x6000, s4;
	s8 =	sshrl.u32 s7, $0x1;
	s5 =	sadd.s32 s5, s4  }
0x8: {  	s6 =	sadd.s32 s31, s4;
	s7 =	ssub.s32 s7, s8;
	s8 =	simm.s32 $0x50  }
0x9: {  	s4 =	sadd.s32 $0x2E000, s5;
	s5 =	smax.u32 s7, $0x1;
	s6 =	sadd.s32 s9, s6  }
0xa: {  	s7 =	simm.s32 $0x2;
	s9 =	simm.s32 $0x4000;
	s6 =	sadd.s32 $0x3E400, s6  }
.LBB2_1:
0xb: {  	[tilespmem:s2], [sflag:$0x2] =	stream.linear.gather [hbm4b:s4+s2], $0x3E80, $0x38;
	[tilespmem:$0x6800] =	vst v63  }
0xc: {  	_ =	swait.ge [sflag:s7], $0x3E80  }
0xd: {  	[sflag:s7] =	ssyncset.done $0x0  }
0xe: {  	s12 =	simm.s32 $0x0;
	[sflag:s7] =	ssyncadd.s32 $0xFFFFC180  }
0xf: {  	[tilespmem:s9], [sflag:$0x1] =	stream.indirect.gather [hbm4b:s3+s8], $0x80, s12, s8, $0xb8;
	[tilespmem:$0x6800] =	vst v63  }
0x10: {  	_ =	swait.ge [sflag:s10], $0x2800  }
0x11: {  	[sflag:s10] =	ssyncset.done $0x0  }
0x12: {  	[sflag:s10] =	ssyncadd.s32 $0xFFFFD800  }
0x13: {  	[hbm4b:s6+s2] =	stream.linear.scatter [tilespmem:s9], [sflag:$0x2], $0x2800, $0x38;
	[tilespmem:$0x6800] =	vst v63  }
0x14: {  	s13 =	simm.s32 $0x200;
	_ =	swait.ge [sflag:s7], $0x2800  }
0x15: {  	s14 =	simm.s32 $0x400;
	s12 =	sadd.s32 $0x500, s6;
	[sflag:s7] =	ssyncset.done $0x0  }
.LBB2_2:
0x16: {  	s15 =	sshra.s32 s13, $0x2  }
0x17: {  	[sflag:s7] =	ssyncadd.s32 $0xFFFFD800;
	s13 =	smov.u32 s14;
	s16 =	sadd.s32 $0x200, s14  }
0x18: {  	[tilespmem:s9], [sflag:$0x1] =	stream.indirect.gather [hbm4b:s3+s8], $0x80, s15, s8, $0xb8;
	[tilespmem:$0x6800] =	vst v63  }
0x19: {  	p0 =	sne.s32 s14, $0xF800;
	_ =	swait.ge [sflag:s10], $0x2800  }
.Ltmp0:
0x1a: {  	[sflag:s10] =	ssyncset.done $0x0;
	(pc) =	sbr.rel @p0 .LBB2_2-.Ltmp0, $4  }
0x1b: {  	[sflag:s10] =	ssyncadd.s32 $0xFFFFD800  }
0x1c: {  	[hbm4b:s12+s2] =	stream.linear.scatter [tilespmem:s9], [sflag:$0x2], $0x2800, $0x38;
	[tilespmem:$0x6800] =	vst v63  }
0x1d: {  	_ =	swait.ge [sflag:s7], $0x2800  }
0x1e: {  	s14 =	smov.u32 s16;
	s12 =	sadd.s32 $0x500, s12;
	[sflag:s7] =	ssyncset.done $0x0  }
0x1f: {  	s13 =	sshra.s32 s13, $0x2;
	[sflag:s7] =	ssyncadd.s32 $0xFFFFD800  }
0x20: {  	[tilespmem:s9], [sflag:$0x1] =	stream.indirect.gather [hbm4b:s3+s8], $0x80, s13, s8, $0xb8;
	[tilespmem:$0x6800] =	vst v63  }
0x21: {  	s11 =	sadd.s32 $0x1, s11;
	_ =	swait.ge [sflag:s10], $0x2800  }
0x22: {  	p0 =	sne.s32 s11, s5;
	[sflag:s10] =	ssyncset.done $0x0  }
.Ltmp1:
0x23: {  	[sflag:s10] =	ssyncadd.s32 $0xFFFFD800;
	(pc) =	sbr.rel @p0 .LBB2_1-.Ltmp1, $4  }
0x24: {  	[hbm4b:s12+s2] =	stream.linear.scatter [tilespmem:s9], [sflag:$0x2], $0x2800, $0x38;
	[tilespmem:$0x6800] =	vst v63  }
0x25: {  	_ =	swait.ge [sflag:s7], $0x2800  }
0x26: {  	[sflag:s7] =	ssyncset.done $0x0  }
0x27: {  	[sflag:s7] =	ssyncadd.s32 $0xFFFFD800  }
0x28: {  	_ =	sfence.sel $0x180000  }
0x29: {  	[bflag:$0x0] =	sbarrier.arrive $0xFFFF  }
0x2a: {  	p0 =	sne.s32 s1, $0x0;
	_ =	strace $0x9000004A  }
0x2b: {  	s0 =	sadd.s32 @!p0 $0x100000, s0;
	[bflag:$0x2] =	sbarrier.arrive $0xFFFF  }
0x2c: {  	[sflag:s0] =	ssyncadd.tile.s32 @!p0 $0x1;
	_ =	shalt  }
.Lfunc_end2:
_tile_overlayer_lowered:
.L_overlay_start_2:
0x2d: {  	(tag) =	ssettag $0x2  }
0x2e: {  	s0 =	rddreg [dreg:$0x0];
	s2 =	stileid.u32  }
0x2f: {  	s1 =	rddreg [dreg:$0x1];
	p0 =	sne.s32 s2, $0x0  }
0x30: {  	s3 =	rddreg [dreg:$0x2];
	[bflag:$0x3] =	sbarrier.arrive $0xFFFF;
	s2 =	simm.s32 @!p0 $0x1C02  }
0x31: {  	[timem:s3], [sflag:s2] =	dma.local @!p0 [hbm:s0], s1  }
0x32: {  	s0 =	simm.s32 @!p0 $0x2  }
0x33: {  	_ =	swait.ge @!p0 [sflag:s0], s1  }
0x34: {  	s1 =	ssub.s32 @!p0 $0x0, s1;
	[sflag:s0] =	ssyncset.done @!p0 $0x0  }
0x35: {  	[sflag:s0] =	ssyncadd.s32 @!p0 s1  }
0x36: {  	[bflag:$0x3] =	sbarrier.arrive $0xFFFF  }
0x37: {  	_ =	shalt  }

// kernel: kernel.18.cloned.1.call-start
scs
__scs_entry_jumppad:
0x0: {  	(pc) =	sbr.rel $0x88, $3  }
0x1: {  	(tag) =	ssettag $0x0;
	lr =	simm.s32 $0x1  }
0x2: {  	[smem:$0x3F8F] =	sst lr;
	_ =	strace $0xD0000000  }
0x3: {  	_ = 	snop  }
0x4: {  	_ = 	snop  }
0x5: {  	_ = 	snop  }
0x6: {  	_ = 	snop  }
0x7: {  	_ = 	snop  }
__scs_overlays_trampoline_lowered:
0x8: {  	[smem:$0x3F9E] =	sst s0  }
0x9: {  	[smem:$0x3F9F] =	sst s1  }
0xa: {  	[smem:$0x3FA0] =	sst s2  }
0xb: {  	[smem:$0x3FA1] =	sst s3  }
0xc: {  	[smem:$0x3FA2] =	sst s4  }
0xd: {  	[smem:$0x3FA3] =	sst s5  }
0xe: {  	[smem:$0x3FA4] =	sst s6  }
0xf: {  	[smem:$0x3FA5] =	sst s7  }
0x10: {  	[smem:$0x3FA6] =	sst s8  }
0x11: {  	[smem:$0x3FA7] =	sst s9;
	s0 =	simm.s32 @!p0 $0x0  }
0x12: {  	s1 =	sld [smem:$0x3F8D];
	s0 =	simm.s32 @p0 $0x1  }
0x13: {  	[smem:$0x3FA8] =	sst s0;
	s0 =	simm.s32 @!p1 $0x0  }
0x14: {  	s2 =	sld [smem:$0x3F8C];
	s0 =	simm.s32 @p1 $0x1  }
0x15: {  	[smem:$0x3FA9] =	sst s0;
	s0 =	simm.s32 @!p2 $0x0  }
0x16: {  	s3 =	sld [smem:$0x3FDB];
	s0 =	simm.s32 @p2 $0x1  }
0x17: {  	s4 =	simm.s32 $0x1BF5;
	[smem:$0x3FAB] =	sst s0  }
0x18: {  	s0 =	sld [smem:$0x3F8E];
	_ =	swait.ge [sflag:s4], $0x0  }
0x19: {  	s7 =	sld [smem:$0x3F8F]  }
0x1a: {  	s8 =	sadd.s32 $0xFFFFE003, lr  }
0x1b: {  	s9 =	sadd.s32 $0xFFFFFEF7, lr;
	s5 =	simm.s32 $0xFFFFFFFF;
	p2 =	slt.u32 s8, $0xFFFFF086  }
0x1c: {  	p1 =	slt.u32 s9, $0xF7A;
	s5 =	simm.s32 @!p2 $0x0  }
0x1d: {  	s5 =	simm.s32 @p1 $0x1;
	p0 =	seq.s32 s7, s2  }
0x1e: {  	s7 =	smul.u32 @!p0 $0xF7A, s2;
	p2 =	seq.s32 @!p0 s5, $0x0  }
0x1f: {  	s9 =	smul.u32 $0xF7A, s1;
	s8 =	simm.s32 @!p0 $0x1BF5;
	p2 =	por !p2, p0  }
0x20: {  	[sflag:s8] =	ssyncset.s32 @!p0 $0xFFFFF086;
	s6 =	sadd.s32 @!p0 s3, s7;
	s7 =	simm.s32 @!p0 $0x108  }
0x21: {  	s3 =	sadd.s32 s3, s9;
	s6 =	sadd.s32 @!p0 $0x88, s6;
	s7 =	simm.s32 @p2 $0x1082  }
0x22: {  	[simem:s7], [sflag:s8] =	dma.local @!p0 [hbm:s6], $0xF7A  }
0x23: {  	s9 =	sor.u32 $0xD0000000, s2;
	s6 =	simm.s32 $0x108;
	_ =	swait.ge @!p0 [sflag:s8], $0x0  }
0x24: {  	s3 =	sadd.s32 $0x88, s3;
	s6 =	simm.s32 @!p1 $0x1082;
	[sflag:s4] =	ssyncset.s32 $0xFFFFF086  }
0x25: {  	[simem:s6], [sflag:s4] =	dma.local [hbm:s3], $0xF7A  }
0x26: {  	[smem:$0x3F8F] =	sst s1;
	(tag) =	ssettag s2;
	_ =	strace s9  }
0x27: {  	s1 =	sld [smem:$0x3F9F]  }
0x28: {  	s2 =	sld [smem:$0x3FA0]  }
0x29: {  	s4 =	sld [smem:$0x3FA2]  }
0x2a: {  	p0 =	seq.s32 s5, $0x0;
	s5 =	sld [smem:$0x3FA3]  }
0x2b: {  	s6 =	sld [smem:$0x3FA4]  }
0x2c: {  	s7 =	sld [smem:$0x3FA5]  }
0x2d: {  	s3 =	simm.s32 $0x108;
	s8 =	sld [smem:$0x3FA6]  }
0x2e: {  	s3 =	simm.s32 @!p0 $0x1082;
	s9 =	sld [smem:$0x3FA7]  }
0x2f: {  	lr =	sadd.s32 s0, s3;
	s0 =	sld [smem:$0x3F9E]  }
0x30: {  	s3 =	sld [smem:$0x3FA1]  }
0x31: {  	[smem:$0x3FAA] =	sst s10  }
0x32: {  	s10 =	sld [smem:$0x3FA8];
	_ =	sdelay $0x3  }
0x33: {  	p0 =	seq.s32 s10, $0x1;
	s10 =	sld [smem:$0x3FAA];
	_ =	sdelay $0x3  }
0x34: {  	[smem:$0x3FAA] =	sst s10  }
0x35: {  	s10 =	sld [smem:$0x3FA9];
	_ =	sdelay $0x3  }
0x36: {  	p1 =	seq.s32 s10, $0x1;
	s10 =	sld [smem:$0x3FAA];
	_ =	sdelay $0x3  }
0x37: {  	[smem:$0x3FAA] =	sst s10  }
0x38: {  	s10 =	sld [smem:$0x3FAB]  }
0x39: {  	_ = 	snop;
	(pc) =	sbr.ind lr, $3  }
0x3a: {  	_ = 	snop  }
0x3b: {  	_ = 	snop  }
0x3c: {  	p2 =	seq.s32 s10, $0x1;
	s10 =	sld [smem:$0x3FAA]  }
0x3d: {  	_ =	shalt  }
0x3e: {  	_ =	shalt  }
0x3f: {  	_ =	shalt  }
0x40: {  	_ =	shalt  }
0x41: {  	_ =	shalt  }
0x42: {  	_ =	shalt  }
0x43: {  	_ =	shalt  }
0x44: {  	_ =	shalt  }
0x45: {  	_ =	shalt  }
0x46: {  	_ =	shalt  }
0x47: {  	_ =	shalt  }
0x48: {  	_ =	shalt  }
0x49: {  	_ =	shalt  }
0x4a: {  	_ =	shalt  }
0x4b: {  	_ =	shalt  }
0x4c: {  	_ =	shalt  }
0x4d: {  	_ =	shalt  }
0x4e: {  	_ =	shalt  }
0x4f: {  	_ =	shalt  }
0x50: {  	_ =	shalt  }
0x51: {  	_ =	shalt  }
0x52: {  	_ =	shalt  }
0x53: {  	_ =	shalt  }
0x54: {  	_ =	shalt  }
0x55: {  	_ =	shalt  }
0x56: {  	_ =	shalt  }
0x57: {  	_ =	shalt  }
0x58: {  	_ =	shalt  }
0x59: {  	_ =	shalt  }
0x5a: {  	_ =	shalt  }
0x5b: {  	_ =	shalt  }
0x5c: {  	_ =	shalt  }
0x5d: {  	_ =	shalt  }
0x5e: {  	_ =	shalt  }
0x5f: {  	_ =	shalt  }
0x60: {  	_ =	shalt  }
0x61: {  	_ =	shalt  }
0x62: {  	_ =	shalt  }
0x63: {  	_ =	shalt  }
0x64: {  	_ =	shalt  }
0x65: {  	_ =	shalt  }
0x66: {  	_ =	shalt  }
0x67: {  	_ =	shalt  }
0x68: {  	_ =	shalt  }
0x69: {  	_ =	shalt  }
0x6a: {  	_ =	shalt  }
0x6b: {  	_ =	shalt  }
0x6c: {  	_ =	shalt  }
0x6d: {  	_ =	shalt  }
0x6e: {  	_ =	shalt  }
0x6f: {  	_ =	shalt  }
0x70: {  	_ =	shalt  }
0x71: {  	_ =	shalt  }
0x72: {  	_ =	shalt  }
0x73: {  	_ =	shalt  }
0x74: {  	_ =	shalt  }
0x75: {  	_ =	shalt  }
0x76: {  	_ =	shalt  }
0x77: {  	_ =	shalt  }
0x78: {  	_ =	shalt  }
0x79: {  	_ =	shalt  }
0x7a: {  	_ =	shalt  }
0x7b: {  	_ =	shalt  }
0x7c: {  	_ =	shalt  }
0x7d: {  	_ =	shalt  }
0x7e: {  	_ =	shalt  }
0x7f: {  	_ =	shalt  }
0x80: {  	_ =	shalt  }
0x81: {  	_ =	shalt  }
0x82: {  	_ =	shalt  }
0x83: {  	_ =	shalt  }
0x84: {  	_ =	shalt  }
0x85: {  	_ =	shalt  }
0x86: {  	_ =	shalt  }
0x87: {  	_ =	shalt  }
.Lfunc_end0:
.L_simem_size_0:
called_computation.2_lowered:
.L_overlay_start_0:
0x88: {  	s2 =	sld [smem:$0x3FD9]  }
0x89: {  	s3 =	sld [smem:$0x3FFE];
	_ =	sdelay $0x1  }
0x8a: {  	s1 =	srdreg.scid  }
0x8b: {  	s0 =	sand.u32 $0x1, s1  }
0x8c: {  	s17 =	sshll.u32 s0, $0xA;
	s2 =	sadd.s32 s3, s2  }
0x8d: {  	s2 =	sadd.s32 s2, s17  }
0x8e: {  	[smem:$0x3FB6] =	sst s2  }
0x8f: {  	_ = 	snop  }
0x90: {  	s2 =	sld [smem:$0x3FD0];
	(tm) =	ssettm $0x1  }
0x91: {  	s18 =	sld [smem:$0x3FFB];
	_ =	sdelay $0x3  }
0x92: {  	_ =	strace s18  }
0x93: {  	s3 =	sld [smem:$0x3FFC];
	_ =	sdelay $0x3  }
0x94: {  	_ =	strace s3  }
0x95: {  	s3 =	sld [smem:$0x3FFD];
	_ =	sdelay $0x3  }
0x96: {  	_ =	strace s3  }
0x97: {  	_ =	strace $0x8FFFFFFF  }
0x98: {  	s19 =	sld [smem:$0x3FDB];
	_ =	sdelay $0x1  }
0x99: {  	s4 =	simm.s32 $_scs_section_size  }
0x9a: {  	s5 =	simm.s32 $_size__tile_overlayer_lowered;
	s6 =	simm.s32 $_tile_overlayer_lowered  }
0x9b: {  	s22 =	simm.s32 $0x1BFF;
	s21 =	sshll.u32 s6, $0x1;
	s3 =	sadd.s32 s4, s19  }
0x9c: {  	s7 =	simm.s32 $0x0;
	s20 =	sshll.u32 s5, $0x1;
	s5 =	sadd.s32 s21, s3  }
0x9d: {  	[timem:s7], [sflag:s22] =	dma.local [hbm:s5], s20  }
0x9e: {  	_ =	swait.ge [sflag:s22], s20  }
0x9f: {  	s4 =	ssub.s32 $0x0, s20;
	[sflag:s22] =	ssyncset.done $0x0  }
0xa0: {  	[sflag:s22] =	ssyncadd.s32 s4;
	_ =	sdelay $0x1  }
0xa1: {  	s23 =	simm.s32 $0x1B8B  }
0xa2: {  	_ =	swait.ge [sflag:s23], $0x1  }
0xa3: {  	[sflag:s23] =	ssyncset.done $0x0  }
0xa4: {  	s25 =	simm.s32 $0x1B8E;
	s24 =	sld [smem:$0x3FFE];
	[sflag:s23] =	ssyncadd.s32 $0xFFFFFFFF  }
0xa5: {  	s26 =	simm.s32 $execute0_lowered;
	[smem:$0x3FD2] =	sst s25  }
0xa6: {  	s5 =	sshll.u32 s26, $0x1;
	_ =	strace $0x8000004C;
	[dreg:$0x1] =	wrdreg $0xFFFFFFFF  }
0xa7: {  	s28 =	simm.s32 $_size_execute0_lowered;
	s3 =	sadd.s32 s3, s5;
	[dreg:$0x0] =	wrdreg $0x0  }
0xa8: {  	s5 =	sshll.u32 s28, $0x1;
	[dreg:$0x2] =	wrdreg s3  }
0xa9: {  	[dreg:$0x3] =	wrdreg s5  }
0xaa: {  	[dreg:$0x4] =	wrdreg $0xC0  }
0xab: {  	_ =	task [dreg:s7], $0x5FFFF  }
0xac: {  	[dreg:$0x1] =	wrdreg $0xFFFFFFFF  }
0xad: {  	[dreg:$0x0] =	wrdreg $0x60  }
0xae: {  	[dreg:$0x2] =	wrdreg s24  }
0xaf: {  	[dreg:$0x3] =	wrdreg s2  }
0xb0: {  	[dreg:$0x4] =	wrdreg $0xA8000  }
0xb1: {  	[dreg:$0x5] =	wrdreg $0x9  }
0xb2: {  	_ =	task.clear_ibuf [dreg:s7], $0x6FFFF;
	_ =	strace $0x9000004C  }
0xb3: {  	s29 =	simm.s32 $0x9;
	_ =	strace $0x8000004E  }
0xb4: {  	_ =	swait.ge [sflag:s29], $0x1  }
0xb5: {  	[sflag:s29] =	ssyncadd.s32 $0xFFFFFFFF  }
0xb6: {  	_ =	strace $0x9000004E  }
0xb7: {  	_ =	sfence  }
0xb8: {  	s30 =	sld [smem:$0x0];
	_ =	sdelay $0x2  }
0xb9: {  	s31 =	sshll.u32 s1, $0xD;
	s1 =	sshrl.u32 s1, $0x2  }
0xba: {  	s3 =	sand.u32 $0x4000, s31;
	s1 =	sadd.s32 s1, s30  }
0xbb: {  	s0 =	sor.u32 s3, s0;
	s1 =	sshll.u32 s1, $0x11  }
0xbc: {  	s0 =	sor.u32 s1, s0  }
0xbd: {  	s0 =	sadd.s32 $0x8F2B, s0  }
0xbe: {  	[sflag:s0] =	ssyncadd.remote.s32 $0x1  }
0xbf: {  	_ =	sfence.sel $0xFFFF  }
0xc0: {  	[dreg:$0x0] =	wrdreg $0xFFFFFFFF;
	(pc) =	sbr.abs _section_cstart, $3  }
0xc1: {  	[dreg:$0x1] =	wrdreg $0xFFFFFFFF  }
0xc2: {  	_ =	task.clear_ibuf [dreg:s7], $0x2FFFF;
	_ =	strace $0x9FFFFFFF  }
0xc3: {  	(tm) =	ssettm $0x7FFFFFFF  }
tec
execute0_lowered:
.L_overlay_start_1:
0x0: {  	(tag) =	ssettag $0x1  }
0x1: {  	s4 =	rddreg [dreg:$0x0];
	s0 =	stileid.u32  }
0x2: {  	s1 =	srdreg.scid;
	s5 =	rddreg [dreg:$0x1]  }
0x3: {  	s2 =	rddreg [dreg:$0x2];
	s3 =	simm.s32 $0x0;
	s13 =	simm.s32 $0x50  }
0x4: {  	s6 =	smul.u32 $0x14000, s0;
	s7 =	sand.u32 $0x1, s1;
	s1 =	rddreg [dreg:$0x3]  }
0x5: {  	s14 =	simm.s32 $0x0;
	[smem:$0x7FF] =	sst s3;
	s9 =	smul.u32 $0x4E200, s0  }
0x6: {  	s10 =	sshll.u32 s0, $0xC;
	s11 =	smul.u32 $0x50000, s0;
	s31 =	sshll.u32 s0, $0x6  }
0x7: {  	s8 =	smul.u32 $0x140000, s7;
	_ =	strace $0x8000004D;
	s28 =	ssub.s32 $0x2, s7  }
0x8: {  	s7 =	sshll.u32 s7, $0x10;
	s5 =	sadd.s32 s5, s10;
	s10 =	sor.u32 $0x1C01, s31  }
0x9: {  	s9 =	sadd.s32 s9, s4;
	s12 =	sshrl.u32 s28, $0x1;
	s30 =	sshrl.u32 s11, $0x2  }
0xa: {  	s8 =	sadd.s32 s6, s8;
	s6 =	sshrl.u32 s6, $0x3;
	s29 =	ssub.s32 s28, s12  }
0xb: {  	s11 =	sadd.s32 s30, s2;
	s12 =	simm.s32 $0x8000;
	s8 =	sshrl.u32 s8, $0x3  }
0xc: {  	s6 =	sadd.s32 s6, s4;
	s11 =	sshrl.u32 s11, $0x3;
	s8 =	sadd.s32 s8, s4  }
0xd: {  	s4 =	sadd.s32 s7, s5;
	s5 =	sadd.s32 $0x6000, s6;
	s7 =	smax.u32 s29, $0x1  }
0xe: {  	s6 =	sadd.s32 $0x2E000, s8;
	s8 =	sadd.s32 $0x520400, s9;
	s9 =	simm.s32 $0x1  }
.LBB2_1:
0xf: {  	[tilespmem:s3], [sflag:$0x1] =	stream.linear.gather [hbm4b:s4+s3], $0x7D00, $0x38;
	[tilespmem:$0x1E800] =	vst v63  }
0x10: {  	_ =	swait.ge [sflag:s9], $0x7D00  }
0x11: {  	[sflag:s9] =	ssyncset.done $0x0  }
0x12: {  	[sflag:s9] =	ssyncadd.s32 $0xFFFF8300  }
0x13: {  	[spmem:s11], [sflag:s10] =	dma.local [hbm:s5], $0x2800  }
0x14: {  	_ =	swait.ge [sflag:s9], $0x2800  }
0x15: {  	[sflag:s9] =	ssyncset.done $0x0  }
0x16: {  	[sflag:s9] =	ssyncadd.s32 $0xFFFFD800  }
0x17: {  	[bflag:$0x0] =	sbarrier.arrive $0xFFFF  }
0x18: {  	[tilespmem:s12], [sflag:$0x1] =	stream.linear.gather [hbm4b:s8+s3], $0x2800, $0x38;
	[tilespmem:$0x1E800] =	vst v63  }
0x19: {  	_ =	swait.ge [sflag:s9], $0x2800  }
0x1a: {  	[sflag:s9] =	ssyncset.done $0x0  }
0x1b: {  	s15 =	simm.s32 $0x0;
	[sflag:s9] =	ssyncadd.s32 $0xFFFFD800  }
0x1c: {  	[spmem:s2] =	stream.indirect.scatter.add.f32 [tilespmem:s12], [sflag:$0x1], $0x80, s15, s13, $0xb8;
	[tilespmem:$0x1E800] =	vst v63  }
0x1d: {  	_ =	swait.ge [sflag:s9], $0x2800  }
0x1e: {  	s16 =	smov.u32 s8;
	s15 =	simm.s32 $0x200;
	[sflag:s9] =	ssyncset.done $0x0  }
.LBB2_2:
0x1f: {  	p0 =	sne.s32 s15, $0x1F200;
	[sflag:s9] =	ssyncadd.s32 $0xFFFFD800;
	s16 =	sadd.s32 $0x500, s16  }
0x20: {  	[tilespmem:s12], [sflag:$0x1] =	stream.linear.gather [hbm4b:s16+s3], $0x2800, $0x38;
	[tilespmem:$0x1E800] =	vst v63  }
0x21: {  	s17 =	smov.u32 s15;
	s15 =	sadd.s32 $0x200, s15;
	_ =	swait.ge [sflag:s9], $0x2800  }
.Ltmp0:
0x22: {  	[sflag:s9] =	ssyncset.done $0x0;
	(pc) =	sbr.rel @p0 .LBB2_2-.Ltmp0, $4  }
0x23: {  	s17 =	sshra.s32 s17, $0x2;
	[sflag:s9] =	ssyncadd.s32 $0xFFFFD800  }
0x24: {  	[spmem:s2] =	stream.indirect.scatter.add.f32 [tilespmem:s12], [sflag:$0x1], $0x80, s17, s13, $0xb8;
	[tilespmem:$0x1E800] =	vst v63  }
0x25: {  	_ =	swait.ge [sflag:s9], $0x2800  }
0x26: {  	[sflag:s9] =	ssyncset.done $0x0  }
0x27: {  	s14 =	sadd.s32 $0x1, s14  }
0x28: {  	[sflag:s9] =	ssyncadd.s32 $0xFFFFD800;
	p0 =	sne.s32 s14, s7  }
.Ltmp1:
0x29: {  	[bflag:$0x0] =	sbarrier.arrive $0xFFFF;
	(pc) =	sbr.rel @p0 .LBB2_1-.Ltmp1, $4  }
0x2a: {  	[hbm:s6], [sflag:s10] =	dma.local [spmem:s11], $0x2800  }
0x2b: {  	_ =	swait.ge [sflag:s9], $0x2800  }
0x2c: {  	[sflag:s9] =	ssyncset.done $0x0  }
0x2d: {  	[sflag:s9] =	ssyncadd.s32 $0xFFFFD800  }
0x2e: {  	_ =	sfence.sel $0x180000  }
0x2f: {  	[bflag:$0x0] =	sbarrier.arrive $0xFFFF  }
0x30: {  	p0 =	sne.s32 s0, $0x0;
	_ =	strace $0x9000004D  }
0x31: {  	s0 =	sadd.s32 @!p0 $0x100000, s1;
	[bflag:$0x2] =	sbarrier.arrive $0xFFFF  }
0x32: {  	[sflag:s0] =	ssyncadd.tile.s32 @!p0 $0x1;
	_ =	shalt  }
.Lfunc_end2:
_tile_overlayer_lowered:
.L_overlay_start_2:
0x33: {  	(tag) =	ssettag $0x2  }
0x34: {  	s0 =	rddreg [dreg:$0x0];
	s2 =	stileid.u32  }
0x35: {  	s1 =	rddreg [dreg:$0x1];
	p0 =	sne.s32 s2, $0x0  }
0x36: {  	s3 =	rddreg [dreg:$0x2];
	[bflag:$0x3] =	sbarrier.arrive $0xFFFF;
	s2 =	simm.s32 @!p0 $0x1C01  }
0x37: {  	[timem:s3], [sflag:s2] =	dma.local @!p0 [hbm:s0], s1  }
0x38: {  	s0 =	simm.s32 @!p0 $0x1  }
0x39: {  	_ =	swait.ge @!p0 [sflag:s0], s1  }
0x3a: {  	s1 =	ssub.s32 @!p0 $0x0, s1;
	[sflag:s0] =	ssyncset.done @!p0 $0x0  }
0x3b: {  	[sflag:s0] =	ssyncadd.s32 @!p0 s1  }
0x3c: {  	[bflag:$0x3] =	sbarrier.arrive $0xFFFF  }
0x3d: {  	_ =	shalt  }

// kernel: kernel.21.cloned.1.call-start
scs
__scs_entry_jumppad:
0x0: {  	(pc) =	sbr.rel $0x88, $3  }
0x1: {  	(tag) =	ssettag $0x0;
	lr =	simm.s32 $0x1  }
0x2: {  	[smem:$0x3F8F] =	sst lr;
	_ =	strace $0xD0000000  }
0x3: {  	_ = 	snop  }
0x4: {  	_ = 	snop  }
0x5: {  	_ = 	snop  }
0x6: {  	_ = 	snop  }
0x7: {  	_ = 	snop  }
__scs_overlays_trampoline_lowered:
0x8: {  	[smem:$0x3F9E] =	sst s0  }
0x9: {  	[smem:$0x3F9F] =	sst s1  }
0xa: {  	[smem:$0x3FA0] =	sst s2  }
0xb: {  	[smem:$0x3FA1] =	sst s3  }
0xc: {  	[smem:$0x3FA2] =	sst s4  }
0xd: {  	[smem:$0x3FA3] =	sst s5  }
0xe: {  	[smem:$0x3FA4] =	sst s6  }
0xf: {  	[smem:$0x3FA5] =	sst s7  }
0x10: {  	[smem:$0x3FA6] =	sst s8  }
0x11: {  	[smem:$0x3FA7] =	sst s9;
	s0 =	simm.s32 @!p0 $0x0  }
0x12: {  	s1 =	sld [smem:$0x3F8D];
	s0 =	simm.s32 @p0 $0x1  }
0x13: {  	[smem:$0x3FA8] =	sst s0;
	s0 =	simm.s32 @!p1 $0x0  }
0x14: {  	s2 =	sld [smem:$0x3F8C];
	s0 =	simm.s32 @p1 $0x1  }
0x15: {  	[smem:$0x3FA9] =	sst s0;
	s0 =	simm.s32 @!p2 $0x0  }
0x16: {  	s3 =	sld [smem:$0x3FDB];
	s0 =	simm.s32 @p2 $0x1  }
0x17: {  	s4 =	simm.s32 $0x1BF5;
	[smem:$0x3FAB] =	sst s0  }
0x18: {  	s0 =	sld [smem:$0x3F8E];
	_ =	swait.ge [sflag:s4], $0x0  }
0x19: {  	s7 =	sld [smem:$0x3F8F]  }
0x1a: {  	s8 =	sadd.s32 $0xFFFFE003, lr  }
0x1b: {  	s9 =	sadd.s32 $0xFFFFFEF7, lr;
	s5 =	simm.s32 $0xFFFFFFFF;
	p2 =	slt.u32 s8, $0xFFFFF086  }
0x1c: {  	p1 =	slt.u32 s9, $0xF7A;
	s5 =	simm.s32 @!p2 $0x0  }
0x1d: {  	s5 =	simm.s32 @p1 $0x1;
	p0 =	seq.s32 s7, s2  }
0x1e: {  	s7 =	smul.u32 @!p0 $0xF7A, s2;
	p2 =	seq.s32 @!p0 s5, $0x0  }
0x1f: {  	s9 =	smul.u32 $0xF7A, s1;
	s8 =	simm.s32 @!p0 $0x1BF5;
	p2 =	por !p2, p0  }
0x20: {  	[sflag:s8] =	ssyncset.s32 @!p0 $0xFFFFF086;
	s6 =	sadd.s32 @!p0 s3, s7;
	s7 =	simm.s32 @!p0 $0x108  }
0x21: {  	s3 =	sadd.s32 s3, s9;
	s6 =	sadd.s32 @!p0 $0x88, s6;
	s7 =	simm.s32 @p2 $0x1082  }
0x22: {  	[simem:s7], [sflag:s8] =	dma.local @!p0 [hbm:s6], $0xF7A  }
0x23: {  	s9 =	sor.u32 $0xD0000000, s2;
	s6 =	simm.s32 $0x108;
	_ =	swait.ge @!p0 [sflag:s8], $0x0  }
0x24: {  	s3 =	sadd.s32 $0x88, s3;
	s6 =	simm.s32 @!p1 $0x1082;
	[sflag:s4] =	ssyncset.s32 $0xFFFFF086  }
0x25: {  	[simem:s6], [sflag:s4] =	dma.local [hbm:s3], $0xF7A  }
0x26: {  	[smem:$0x3F8F] =	sst s1;
	(tag) =	ssettag s2;
	_ =	strace s9  }
0x27: {  	s1 =	sld [smem:$0x3F9F]  }
0x28: {  	s2 =	sld [smem:$0x3FA0]  }
0x29: {  	s4 =	sld [smem:$0x3FA2]  }
0x2a: {  	p0 =	seq.s32 s5, $0x0;
	s5 =	sld [smem:$0x3FA3]  }
0x2b: {  	s6 =	sld [smem:$0x3FA4]  }
0x2c: {  	s7 =	sld [smem:$0x3FA5]  }
0x2d: {  	s3 =	simm.s32 $0x108;
	s8 =	sld [smem:$0x3FA6]  }
0x2e: {  	s3 =	simm.s32 @!p0 $0x1082;
	s9 =	sld [smem:$0x3FA7]  }
0x2f: {  	lr =	sadd.s32 s0, s3;
	s0 =	sld [smem:$0x3F9E]  }
0x30: {  	s3 =	sld [smem:$0x3FA1]  }
0x31: {  	[smem:$0x3FAA] =	sst s10  }
0x32: {  	s10 =	sld [smem:$0x3FA8];
	_ =	sdelay $0x3  }
0x33: {  	p0 =	seq.s32 s10, $0x1;
	s10 =	sld [smem:$0x3FAA];
	_ =	sdelay $0x3  }
0x34: {  	[smem:$0x3FAA] =	sst s10  }
0x35: {  	s10 =	sld [smem:$0x3FA9];
	_ =	sdelay $0x3  }
0x36: {  	p1 =	seq.s32 s10, $0x1;
	s10 =	sld [smem:$0x3FAA];
	_ =	sdelay $0x3  }
0x37: {  	[smem:$0x3FAA] =	sst s10  }
0x38: {  	s10 =	sld [smem:$0x3FAB]  }
0x39: {  	_ = 	snop;
	(pc) =	sbr.ind lr, $3  }
0x3a: {  	_ = 	snop  }
0x3b: {  	_ = 	snop  }
0x3c: {  	p2 =	seq.s32 s10, $0x1;
	s10 =	sld [smem:$0x3FAA]  }
0x3d: {  	_ =	shalt  }
0x3e: {  	_ =	shalt  }
0x3f: {  	_ =	shalt  }
0x40: {  	_ =	shalt  }
0x41: {  	_ =	shalt  }
0x42: {  	_ =	shalt  }
0x43: {  	_ =	shalt  }
0x44: {  	_ =	shalt  }
0x45: {  	_ =	shalt  }
0x46: {  	_ =	shalt  }
0x47: {  	_ =	shalt  }
0x48: {  	_ =	shalt  }
0x49: {  	_ =	shalt  }
0x4a: {  	_ =	shalt  }
0x4b: {  	_ =	shalt  }
0x4c: {  	_ =	shalt  }
0x4d: {  	_ =	shalt  }
0x4e: {  	_ =	shalt  }
0x4f: {  	_ =	shalt  }
0x50: {  	_ =	shalt  }
0x51: {  	_ =	shalt  }
0x52: {  	_ =	shalt  }
0x53: {  	_ =	shalt  }
0x54: {  	_ =	shalt  }
0x55: {  	_ =	shalt  }
0x56: {  	_ =	shalt  }
0x57: {  	_ =	shalt  }
0x58: {  	_ =	shalt  }
0x59: {  	_ =	shalt  }
0x5a: {  	_ =	shalt  }
0x5b: {  	_ =	shalt  }
0x5c: {  	_ =	shalt  }
0x5d: {  	_ =	shalt  }
0x5e: {  	_ =	shalt  }
0x5f: {  	_ =	shalt  }
0x60: {  	_ =	shalt  }
0x61: {  	_ =	shalt  }
0x62: {  	_ =	shalt  }
0x63: {  	_ =	shalt  }
0x64: {  	_ =	shalt  }
0x65: {  	_ =	shalt  }
0x66: {  	_ =	shalt  }
0x67: {  	_ =	shalt  }
0x68: {  	_ =	shalt  }
0x69: {  	_ =	shalt  }
0x6a: {  	_ =	shalt  }
0x6b: {  	_ =	shalt  }
0x6c: {  	_ =	shalt  }
0x6d: {  	_ =	shalt  }
0x6e: {  	_ =	shalt  }
0x6f: {  	_ =	shalt  }
0x70: {  	_ =	shalt  }
0x71: {  	_ =	shalt  }
0x72: {  	_ =	shalt  }
0x73: {  	_ =	shalt  }
0x74: {  	_ =	shalt  }
0x75: {  	_ =	shalt  }
0x76: {  	_ =	shalt  }
0x77: {  	_ =	shalt  }
0x78: {  	_ =	shalt  }
0x79: {  	_ =	shalt  }
0x7a: {  	_ =	shalt  }
0x7b: {  	_ =	shalt  }
0x7c: {  	_ =	shalt  }
0x7d: {  	_ =	shalt  }
0x7e: {  	_ =	shalt  }
0x7f: {  	_ =	shalt  }
0x80: {  	_ =	shalt  }
0x81: {  	_ =	shalt  }
0x82: {  	_ =	shalt  }
0x83: {  	_ =	shalt  }
0x84: {  	_ =	shalt  }
0x85: {  	_ =	shalt  }
0x86: {  	_ =	shalt  }
0x87: {  	_ =	shalt  }
.Lfunc_end0:
.L_simem_size_0:
called_computation.3_lowered:
.L_overlay_start_0:
0x88: {  	s2 =	sld [smem:$0x3FD9]  }
0x89: {  	s3 =	sld [smem:$0x3FFE];
	_ =	sdelay $0x1  }
0x8a: {  	s1 =	srdreg.scid  }
0x8b: {  	s0 =	sand.u32 $0x1, s1  }
0x8c: {  	s16 =	sshll.u32 s0, $0xA;
	s2 =	sadd.s32 s3, s2  }
0x8d: {  	s2 =	sadd.s32 s2, s16  }
0x8e: {  	[smem:$0x3FB6] =	sst s2  }
0x8f: {  	_ = 	snop  }
0x90: {  	(tm) =	ssettm $0x1  }
0x91: {  	s17 =	sld [smem:$0x3FFB];
	_ =	sdelay $0x3  }
0x92: {  	_ =	strace s17  }
0x93: {  	s2 =	sld [smem:$0x3FFC];
	_ =	sdelay $0x3  }
0x94: {  	_ =	strace s2  }
0x95: {  	s2 =	sld [smem:$0x3FFD];
	_ =	sdelay $0x3  }
0x96: {  	_ =	strace s2  }
0x97: {  	_ =	strace $0x8FFFFFFF  }
0x98: {  	s18 =	sld [smem:$0x3FDB];
	_ =	sdelay $0x1  }
0x99: {  	s19 =	simm.s32 $_scs_section_size  }
0x9a: {  	s4 =	simm.s32 $_size__tile_overlayer_lowered;
	s5 =	simm.s32 $_tile_overlayer_lowered  }
0x9b: {  	s22 =	simm.s32 $0x1BFF;
	s21 =	sshll.u32 s5, $0x1;
	s2 =	sadd.s32 s19, s18  }
0x9c: {  	s6 =	simm.s32 $0x0;
	s20 =	sshll.u32 s4, $0x1;
	s4 =	sadd.s32 s21, s2  }
0x9d: {  	[timem:s6], [sflag:s22] =	dma.local [hbm:s4], s20  }
0x9e: {  	_ =	swait.ge [sflag:s22], s20  }
0x9f: {  	s3 =	ssub.s32 $0x0, s20;
	[sflag:s22] =	ssyncset.done $0x0  }
0xa0: {  	[sflag:s22] =	ssyncadd.s32 s3;
	_ =	sdelay $0x1  }
0xa1: {  	s23 =	simm.s32 $0x1B8B  }
0xa2: {  	_ =	swait.ge [sflag:s23], $0x1  }
0xa3: {  	[sflag:s23] =	ssyncset.done $0x0  }
0xa4: {  	s25 =	simm.s32 $0x1B8E;
	s24 =	sld [smem:$0x3FFE];
	[sflag:s23] =	ssyncadd.s32 $0xFFFFFFFF  }
0xa5: {  	s26 =	simm.s32 $execute0_lowered;
	[smem:$0x3FD2] =	sst s25  }
0xa6: {  	s4 =	sshll.u32 s26, $0x1;
	_ =	strace $0x8000004F;
	[dreg:$0x1] =	wrdreg $0xFFFFFFFF  }
0xa7: {  	s28 =	simm.s32 $_size_execute0_lowered;
	s2 =	sadd.s32 s2, s4;
	[dreg:$0x0] =	wrdreg $0x0  }
0xa8: {  	s4 =	sshll.u32 s28, $0x1;
	[dreg:$0x2] =	wrdreg s2  }
0xa9: {  	[dreg:$0x3] =	wrdreg s4  }
0xaa: {  	[dreg:$0x4] =	wrdreg $0xC0  }
0xab: {  	_ =	task [dreg:s6], $0x5FFFF  }
0xac: {  	[dreg:$0x1] =	wrdreg $0xFFFFFFFF  }
0xad: {  	[dreg:$0x0] =	wrdreg $0x60  }
0xae: {  	[dreg:$0x2] =	wrdreg s24  }
0xaf: {  	[dreg:$0x3] =	wrdreg $0x48000  }
0xb0: {  	[dreg:$0x4] =	wrdreg $0x9  }
0xb1: {  	_ =	task.clear_ibuf [dreg:s6], $0x5FFFF;
	_ =	strace $0x9000004F  }
0xb2: {  	s29 =	simm.s32 $0x9;
	_ =	strace $0x80000051  }
0xb3: {  	_ =	swait.ge [sflag:s29], $0x1  }
0xb4: {  	[sflag:s29] =	ssyncadd.s32 $0xFFFFFFFF  }
0xb5: {  	_ =	strace $0x90000051  }
0xb6: {  	_ =	sfence  }
0xb7: {  	s30 =	sld [smem:$0x0];
	_ =	sdelay $0x2  }
0xb8: {  	s31 =	sshll.u32 s1, $0xD;
	s1 =	sshrl.u32 s1, $0x2  }
0xb9: {  	s3 =	sand.u32 $0x4000, s31;
	s1 =	sadd.s32 s1, s30  }
0xba: {  	s0 =	sor.u32 s3, s0;
	s1 =	sshll.u32 s1, $0x11  }
0xbb: {  	s0 =	sor.u32 s1, s0  }
0xbc: {  	s0 =	sadd.s32 $0x8F2B, s0  }
0xbd: {  	[sflag:s0] =	ssyncadd.remote.s32 $0x1  }
0xbe: {  	_ =	sfence.sel $0xFFFF  }
0xbf: {  	[dreg:$0x0] =	wrdreg $0xFFFFFFFF;
	(pc) =	sbr.abs _section_cstart, $3  }
0xc0: {  	[dreg:$0x1] =	wrdreg $0xFFFFFFFF  }
0xc1: {  	_ =	task.clear_ibuf [dreg:s6], $0x2FFFF;
	_ =	strace $0x9FFFFFFF  }
0xc2: {  	(tm) =	ssettm $0x7FFFFFFF  }
0xc3: {  	_ =	shalt  }
tec
execute0_lowered:
.L_overlay_start_1:
0x0: {  	(tag) =	ssettag $0x1  }
0x1: {  	s7 =	rddreg [dreg:$0x0]  }
0x2: {  	s2 =	rddreg [dreg:$0x1]  }
0x3: {  	s0 =	rddreg [dreg:$0x2]  }
0x4: {  	s3 =	simm.s32 $0x0;
	s1 =	stileid.u32;
	s4 =	srdreg.scid  }
0x5: {  	s15 =	simm.s32 $0x50;
	s16 =	simm.s32 $0x2000;
	s17 =	simm.s32 $0x1  }
0x6: {  	[smem:$0x7FF] =	sst s3;
	s8 =	smul.u32 $0x14000, s1;
	s9 =	sand.u32 $0x1, s4  }
0x7: {  	s4 =	sadd.s32 $0x2E000, s7;
	s5 =	sadd.s32 $0x7E000, s7;
	s13 =	smul.u32 $0x50000, s1  }
0x8: {  	s6 =	sadd.s32 $0xA6000, s7;
	s30 =	sshll.u32 s1, $0x6;
	s31 =	smul.u32 $0xA000, s1  }
0x9: {  	_ =	strace $0x80000050;
	s10 =	smul.u32 $0x140000, s9;
	s28 =	ssub.s32 $0x2, s9  }
0xa: {  	s9 =	smul.u32 $0xA0000, s9;
	s11 =	sshrl.u32 s8, $0x3;
	s12 =	sshrl.u32 s28, $0x1  }
0xb: {  	s29 =	sshrl.u32 s13, $0x2;
	s11 =	sadd.s32 s11, s7;
	s8 =	sadd.s32 s8, s10  }
0xc: {  	s12 =	ssub.s32 s28, s12;
	s13 =	sadd.s32 s29, s2;
	s8 =	sshrl.u32 s8, $0x3  }
0xd: {  	s9 =	sadd.s32 s31, s9;
	s14 =	sadd.s32 s8, s7;
	s7 =	sadd.s32 $0x6000, s11  }
0xe: {  	s8 =	sor.u32 $0x1C02, s30;
	s11 =	smax.u32 s12, $0x1;
	s12 =	sshrl.u32 s13, $0x3  }
0xf: {  	s13 =	simm.s32 $0x2;
	s10 =	sadd.s32 $0xCE000, s14;
	s14 =	simm.s32 $0x1000  }
.LBB2_1:
0x10: {  	[spmem:s12], [sflag:s8] =	dma.local [hbm:s7], $0x2800  }
0x11: {  	_ =	swait.ge [sflag:s13], $0x2800  }
0x12: {  	[sflag:s13] =	ssyncset.done $0x0  }
0x13: {  	[sflag:s13] =	ssyncadd.s32 $0xFFFFD800  }
0x14: {  	s18 =	simm.s32 $0x0;
	[bflag:$0x0] =	sbarrier.arrive $0xFFFF  }
.LBB2_2:
0x15: {  	s19 =	sshll.u32 s18, $0xC  }
0x16: {  	s19 =	sadd.s32 s19, s9  }
0x17: {  	s19 =	sshrl.u32 s19, $0x3  }
0x18: {  	s21 =	simm.s32 $0x0;
	s20 =	sadd.s32 s5, s19  }
0x19: {  	[tilespmem:s21], [sflag:$0x2] =	stream.linear.gather [hbm4b:s20+s21], $0xC80, $0x38;
	[tilespmem:$0x18800] =	vst v63  }
0x1a: {  	_ =	swait.ge [sflag:s13], $0xC80  }
0x1b: {  	[sflag:s13] =	ssyncset.done $0x0  }
0x1c: {  	s19 =	sadd.s32 s6, s19;
	[sflag:s13] =	ssyncadd.s32 $0xFFFFF380  }
0x1d: {  	[tilespmem:s14], [sflag:$0x2] =	stream.linear.gather [hbm4b:s19+s21], $0xC80, $0x38;
	[tilespmem:$0x18800] =	vst v63  }
0x1e: {  	_ =	swait.ge [sflag:s13], $0xC80  }
0x1f: {  	[sflag:s13] =	ssyncset.done $0x0  }
0x20: {  	s30 =	simm.s32 $0x0;
	[sflag:s13] =	ssyncadd.s32 $0xFFFFF380  }
0x21: {  	[tilespmem:s16], [sflag:$0x1] =	stream.indirect.gather [hbm4b:s4+s15], $0x80, s30, s15, $0xb8;
	[tilespmem:$0x18800] =	vst v63  }
0x22: {  	_ =	swait.ge [sflag:s17], $0x2800  }
0x23: {  	[sflag:s17] =	ssyncset.done $0x0  }
0x24: {  	s31 =	simm.s32 $0x1000;
	[sflag:s17] =	ssyncadd.s32 $0xFFFFD800  }
0x25: {  	[spmem:s2] =	stream.indirect.scatter.add.f32 [tilespmem:s16], [sflag:$0x2], $0x80, s31, s15, $0xb8;
	[tilespmem:$0x18800] =	vst v63  }
0x26: {  	_ =	swait.ge [sflag:s13], $0x2800  }
0x27: {  	s20 =	simm.s32 $0x400;
	s19 =	simm.s32 $0x200;
	[sflag:s13] =	ssyncset.done $0x0  }
.LBB2_3:
0x28: {  	s21 =	sshra.s32 s19, $0x2  }
0x29: {  	[sflag:s13] =	ssyncadd.s32 $0xFFFFD800;
	s19 =	smov.u32 s20;
	s22 =	sadd.s32 $0x200, s20  }
0x2a: {  	[tilespmem:s16], [sflag:$0x1] =	stream.indirect.gather [hbm4b:s4+s15], $0x80, s21, s15, $0xb8;
	[tilespmem:$0x18800] =	vst v63  }
0x2b: {  	p0 =	sne.s32 s20, $0x3000;
	_ =	swait.ge [sflag:s17], $0x2800  }
.Ltmp0:
0x2c: {  	[sflag:s17] =	ssyncset.done $0x0;
	(pc) =	sbr.rel @p0 .LBB2_3-.Ltmp0, $4  }
0x2d: {  	s20 =	sadd.s32 $0x1000, s21;
	[sflag:s17] =	ssyncadd.s32 $0xFFFFD800  }
0x2e: {  	[spmem:s2] =	stream.indirect.scatter.add.f32 [tilespmem:s16], [sflag:$0x2], $0x80, s20, s15, $0xb8;
	[tilespmem:$0x18800] =	vst v63  }
0x2f: {  	_ =	swait.ge [sflag:s13], $0x2800  }
0x30: {  	s20 =	smov.u32 s22;
	[sflag:s13] =	ssyncset.done $0x0  }
0x31: {  	s19 =	sshra.s32 s19, $0x2;
	[sflag:s13] =	ssyncadd.s32 $0xFFFFD800  }
0x32: {  	[tilespmem:s16], [sflag:$0x1] =	stream.indirect.gather [hbm4b:s4+s15], $0x80, s19, s15, $0xb8;
	[tilespmem:$0x18800] =	vst v63  }
0x33: {  	s18 =	sadd.s32 $0x1, s18;
	_ =	swait.ge [sflag:s17], $0x2800  }
0x34: {  	p0 =	sne.s32 s18, $0xA;
	[sflag:s17] =	ssyncset.done $0x0  }
.Ltmp1:
0x35: {  	s19 =	sadd.s32 $0x1000, s19;
	[sflag:s17] =	ssyncadd.s32 $0xFFFFD800;
	(pc) =	sbr.rel @p0 .LBB2_2-.Ltmp1, $4  }
0x36: {  	[spmem:s2] =	stream.indirect.scatter.add.f32 [tilespmem:s16], [sflag:$0x2], $0x80, s19, s15, $0xb8;
	[tilespmem:$0x18800] =	vst v63  }
0x37: {  	_ =	swait.ge [sflag:s13], $0x2800  }
0x38: {  	[sflag:s13] =	ssyncset.done $0x0  }
0x39: {  	[sflag:s13] =	ssyncadd.s32 $0xFFFFD800  }
0x3a: {  	s3 =	sadd.s32 $0x1, s3  }
0x3b: {  	p0 =	sne.s32 s3, s11  }
.Ltmp2:
0x3c: {  	[bflag:$0x0] =	sbarrier.arrive $0xFFFF;
	(pc) =	sbr.rel @p0 .LBB2_1-.Ltmp2, $4  }
0x3d: {  	[hbm:s10], [sflag:s8] =	dma.local [spmem:s12], $0x2800  }
0x3e: {  	_ =	swait.ge [sflag:s13], $0x2800  }
0x3f: {  	[sflag:s13] =	ssyncset.done $0x0  }
0x40: {  	[sflag:s13] =	ssyncadd.s32 $0xFFFFD800  }
0x41: {  	_ =	sfence.sel $0x180000  }
0x42: {  	[bflag:$0x0] =	sbarrier.arrive $0xFFFF  }
0x43: {  	p0 =	sne.s32 s1, $0x0;
	_ =	strace $0x90000050  }
0x44: {  	s0 =	sadd.s32 @!p0 $0x100000, s0;
	[bflag:$0x2] =	sbarrier.arrive $0xFFFF  }
0x45: {  	[sflag:s0] =	ssyncadd.tile.s32 @!p0 $0x1;
	_ =	shalt  }
.Lfunc_end2:
_tile_overlayer_lowered:
.L_overlay_start_2:
0x46: {  	(tag) =	ssettag $0x2  }
0x47: {  	s0 =	rddreg [dreg:$0x0];
	s2 =	stileid.u32  }
0x48: {  	s1 =	rddreg [dreg:$0x1];
	p0 =	sne.s32 s2, $0x0  }
0x49: {  	s3 =	rddreg [dreg:$0x2];
	[bflag:$0x3] =	sbarrier.arrive $0xFFFF;
	s2 =	simm.s32 @!p0 $0x1C02  }
0x4a: {  	[timem:s3], [sflag:s2] =	dma.local @!p0 [hbm:s0], s1  }
0x4b: {  	s0 =	simm.s32 @!p0 $0x2  }
0x4c: {  	_ =	swait.ge @!p0 [sflag:s0], s1  }
0x4d: {  	s1 =	ssub.s32 @!p0 $0x0, s1;
	[sflag:s0] =	ssyncset.done @!p0 $0x0  }
0x4e: {  	[sflag:s0] =	ssyncadd.s32 @!p0 s1  }
0x4f: {  	[bflag:$0x3] =	sbarrier.arrive $0xFFFF  }
0x50: {  	_ =	shalt  }

// kernel: kernel.24.cloned.1.call-start
scs
__scs_entry_jumppad:
0x0: {  	(pc) =	sbr.rel $0x88, $3  }
0x1: {  	(tag) =	ssettag $0x0;
	lr =	simm.s32 $0x1  }
0x2: {  	[smem:$0x3F8F] =	sst lr;
	_ =	strace $0xD0000000  }
0x3: {  	_ = 	snop  }
0x4: {  	_ = 	snop  }
0x5: {  	_ = 	snop  }
0x6: {  	_ = 	snop  }
0x7: {  	_ = 	snop  }
__scs_overlays_trampoline_lowered:
0x8: {  	[smem:$0x3F9E] =	sst s0  }
0x9: {  	[smem:$0x3F9F] =	sst s1  }
0xa: {  	[smem:$0x3FA0] =	sst s2  }
0xb: {  	[smem:$0x3FA1] =	sst s3  }
0xc: {  	[smem:$0x3FA2] =	sst s4  }
0xd: {  	[smem:$0x3FA3] =	sst s5  }
0xe: {  	[smem:$0x3FA4] =	sst s6  }
0xf: {  	[smem:$0x3FA5] =	sst s7  }
0x10: {  	[smem:$0x3FA6] =	sst s8  }
0x11: {  	[smem:$0x3FA7] =	sst s9;
	s0 =	simm.s32 @!p0 $0x0  }
0x12: {  	s1 =	sld [smem:$0x3F8D];
	s0 =	simm.s32 @p0 $0x1  }
0x13: {  	[smem:$0x3FA8] =	sst s0;
	s0 =	simm.s32 @!p1 $0x0  }
0x14: {  	s2 =	sld [smem:$0x3F8C];
	s0 =	simm.s32 @p1 $0x1  }
0x15: {  	[smem:$0x3FA9] =	sst s0;
	s0 =	simm.s32 @!p2 $0x0  }
0x16: {  	s3 =	sld [smem:$0x3FDB];
	s0 =	simm.s32 @p2 $0x1  }
0x17: {  	s4 =	simm.s32 $0x1BF5;
	[smem:$0x3FAB] =	sst s0  }
0x18: {  	s0 =	sld [smem:$0x3F8E];
	_ =	swait.ge [sflag:s4], $0x0  }
0x19: {  	s7 =	sld [smem:$0x3F8F]  }
0x1a: {  	s8 =	sadd.s32 $0xFFFFE003, lr  }
0x1b: {  	s9 =	sadd.s32 $0xFFFFFEF7, lr;
	s5 =	simm.s32 $0xFFFFFFFF;
	p2 =	slt.u32 s8, $0xFFFFF086  }
0x1c: {  	p1 =	slt.u32 s9, $0xF7A;
	s5 =	simm.s32 @!p2 $0x0  }
0x1d: {  	s5 =	simm.s32 @p1 $0x1;
	p0 =	seq.s32 s7, s2  }
0x1e: {  	s7 =	smul.u32 @!p0 $0xF7A, s2;
	p2 =	seq.s32 @!p0 s5, $0x0  }
0x1f: {  	s9 =	smul.u32 $0xF7A, s1;
	s8 =	simm.s32 @!p0 $0x1BF5;
	p2 =	por !p2, p0  }
0x20: {  	[sflag:s8] =	ssyncset.s32 @!p0 $0xFFFFF086;
	s6 =	sadd.s32 @!p0 s3, s7;
	s7 =	simm.s32 @!p0 $0x108  }
0x21: {  	s3 =	sadd.s32 s3, s9;
	s6 =	sadd.s32 @!p0 $0x88, s6;
	s7 =	simm.s32 @p2 $0x1082  }
0x22: {  	[simem:s7], [sflag:s8] =	dma.local @!p0 [hbm:s6], $0xF7A  }
0x23: {  	s9 =	sor.u32 $0xD0000000, s2;
	s6 =	simm.s32 $0x108;
	_ =	swait.ge @!p0 [sflag:s8], $0x0  }
0x24: {  	s3 =	sadd.s32 $0x88, s3;
	s6 =	simm.s32 @!p1 $0x1082;
	[sflag:s4] =	ssyncset.s32 $0xFFFFF086  }
0x25: {  	[simem:s6], [sflag:s4] =	dma.local [hbm:s3], $0xF7A  }
0x26: {  	[smem:$0x3F8F] =	sst s1;
	(tag) =	ssettag s2;
	_ =	strace s9  }
0x27: {  	s1 =	sld [smem:$0x3F9F]  }
0x28: {  	s2 =	sld [smem:$0x3FA0]  }
0x29: {  	s4 =	sld [smem:$0x3FA2]  }
0x2a: {  	p0 =	seq.s32 s5, $0x0;
	s5 =	sld [smem:$0x3FA3]  }
0x2b: {  	s6 =	sld [smem:$0x3FA4]  }
0x2c: {  	s7 =	sld [smem:$0x3FA5]  }
0x2d: {  	s3 =	simm.s32 $0x108;
	s8 =	sld [smem:$0x3FA6]  }
0x2e: {  	s3 =	simm.s32 @!p0 $0x1082;
	s9 =	sld [smem:$0x3FA7]  }
0x2f: {  	lr =	sadd.s32 s0, s3;
	s0 =	sld [smem:$0x3F9E]  }
0x30: {  	s3 =	sld [smem:$0x3FA1]  }
0x31: {  	[smem:$0x3FAA] =	sst s10  }
0x32: {  	s10 =	sld [smem:$0x3FA8];
	_ =	sdelay $0x3  }
0x33: {  	p0 =	seq.s32 s10, $0x1;
	s10 =	sld [smem:$0x3FAA];
	_ =	sdelay $0x3  }
0x34: {  	[smem:$0x3FAA] =	sst s10  }
0x35: {  	s10 =	sld [smem:$0x3FA9];
	_ =	sdelay $0x3  }
0x36: {  	p1 =	seq.s32 s10, $0x1;
	s10 =	sld [smem:$0x3FAA];
	_ =	sdelay $0x3  }
0x37: {  	[smem:$0x3FAA] =	sst s10  }
0x38: {  	s10 =	sld [smem:$0x3FAB]  }
0x39: {  	_ = 	snop;
	(pc) =	sbr.ind lr, $3  }
0x3a: {  	_ = 	snop  }
0x3b: {  	_ = 	snop  }
0x3c: {  	p2 =	seq.s32 s10, $0x1;
	s10 =	sld [smem:$0x3FAA]  }
0x3d: {  	_ =	shalt  }
0x3e: {  	_ =	shalt  }
0x3f: {  	_ =	shalt  }
0x40: {  	_ =	shalt  }
0x41: {  	_ =	shalt  }
0x42: {  	_ =	shalt  }
0x43: {  	_ =	shalt  }
0x44: {  	_ =	shalt  }
0x45: {  	_ =	shalt  }
0x46: {  	_ =	shalt  }
0x47: {  	_ =	shalt  }
0x48: {  	_ =	shalt  }
0x49: {  	_ =	shalt  }
0x4a: {  	_ =	shalt  }
0x4b: {  	_ =	shalt  }
0x4c: {  	_ =	shalt  }
0x4d: {  	_ =	shalt  }
0x4e: {  	_ =	shalt  }
0x4f: {  	_ =	shalt  }
0x50: {  	_ =	shalt  }
0x51: {  	_ =	shalt  }
0x52: {  	_ =	shalt  }
0x53: {  	_ =	shalt  }
0x54: {  	_ =	shalt  }
0x55: {  	_ =	shalt  }
0x56: {  	_ =	shalt  }
0x57: {  	_ =	shalt  }
0x58: {  	_ =	shalt  }
0x59: {  	_ =	shalt  }
0x5a: {  	_ =	shalt  }
0x5b: {  	_ =	shalt  }
0x5c: {  	_ =	shalt  }
0x5d: {  	_ =	shalt  }
0x5e: {  	_ =	shalt  }
0x5f: {  	_ =	shalt  }
0x60: {  	_ =	shalt  }
0x61: {  	_ =	shalt  }
0x62: {  	_ =	shalt  }
0x63: {  	_ =	shalt  }
0x64: {  	_ =	shalt  }
0x65: {  	_ =	shalt  }
0x66: {  	_ =	shalt  }
0x67: {  	_ =	shalt  }
0x68: {  	_ =	shalt  }
0x69: {  	_ =	shalt  }
0x6a: {  	_ =	shalt  }
0x6b: {  	_ =	shalt  }
0x6c: {  	_ =	shalt  }
0x6d: {  	_ =	shalt  }
0x6e: {  	_ =	shalt  }
0x6f: {  	_ =	shalt  }
0x70: {  	_ =	shalt  }
0x71: {  	_ =	shalt  }
0x72: {  	_ =	shalt  }
0x73: {  	_ =	shalt  }
0x74: {  	_ =	shalt  }
0x75: {  	_ =	shalt  }
0x76: {  	_ =	shalt  }
0x77: {  	_ =	shalt  }
0x78: {  	_ =	shalt  }
0x79: {  	_ =	shalt  }
0x7a: {  	_ =	shalt  }
0x7b: {  	_ =	shalt  }
0x7c: {  	_ =	shalt  }
0x7d: {  	_ =	shalt  }
0x7e: {  	_ =	shalt  }
0x7f: {  	_ =	shalt  }
0x80: {  	_ =	shalt  }
0x81: {  	_ =	shalt  }
0x82: {  	_ =	shalt  }
0x83: {  	_ =	shalt  }
0x84: {  	_ =	shalt  }
0x85: {  	_ =	shalt  }
0x86: {  	_ =	shalt  }
0x87: {  	_ =	shalt  }
.Lfunc_end0:
.L_simem_size_0:
called_computation.4_lowered:
.L_overlay_start_0:
0x88: {  	s2 =	sld [smem:$0x3FD9]  }
0x89: {  	s3 =	sld [smem:$0x3FFE];
	_ =	sdelay $0x1  }
0x8a: {  	s1 =	srdreg.scid  }
0x8b: {  	s0 =	sand.u32 $0x1, s1  }
0x8c: {  	s16 =	sshll.u32 s0, $0xA;
	s2 =	sadd.s32 s3, s2  }
0x8d: {  	s2 =	sadd.s32 s2, s16  }
0x8e: {  	[smem:$0x3FB6] =	sst s2  }
0x8f: {  	_ = 	snop  }
0x90: {  	(tm) =	ssettm $0x1  }
0x91: {  	s17 =	sld [smem:$0x3FFB];
	_ =	sdelay $0x3  }
0x92: {  	_ =	strace s17  }
0x93: {  	s2 =	sld [smem:$0x3FFC];
	_ =	sdelay $0x3  }
0x94: {  	_ =	strace s2  }
0x95: {  	s2 =	sld [smem:$0x3FFD];
	_ =	sdelay $0x3  }
0x96: {  	_ =	strace s2  }
0x97: {  	_ =	strace $0x8FFFFFFF  }
0x98: {  	s18 =	sld [smem:$0x3FDB];
	_ =	sdelay $0x1  }
0x99: {  	s19 =	simm.s32 $_scs_section_size  }
0x9a: {  	s4 =	simm.s32 $_size__tile_overlayer_lowered;
	s5 =	simm.s32 $_tile_overlayer_lowered  }
0x9b: {  	s22 =	simm.s32 $0x1BFF;
	s21 =	sshll.u32 s5, $0x1;
	s2 =	sadd.s32 s19, s18  }
0x9c: {  	s6 =	simm.s32 $0x0;
	s20 =	sshll.u32 s4, $0x1;
	s4 =	sadd.s32 s21, s2  }
0x9d: {  	[timem:s6], [sflag:s22] =	dma.local [hbm:s4], s20  }
0x9e: {  	_ =	swait.ge [sflag:s22], s20  }
0x9f: {  	s3 =	ssub.s32 $0x0, s20;
	[sflag:s22] =	ssyncset.done $0x0  }
0xa0: {  	[sflag:s22] =	ssyncadd.s32 s3;
	_ =	sdelay $0x1  }
0xa1: {  	s23 =	simm.s32 $0x1B8B  }
0xa2: {  	_ =	swait.ge [sflag:s23], $0x1  }
0xa3: {  	[sflag:s23] =	ssyncset.done $0x0  }
0xa4: {  	s25 =	simm.s32 $0x1B8E;
	s24 =	sld [smem:$0x3FFE];
	[sflag:s23] =	ssyncadd.s32 $0xFFFFFFFF  }
0xa5: {  	s26 =	simm.s32 $execute0_lowered;
	[smem:$0x3FD2] =	sst s25  }
0xa6: {  	s4 =	sshll.u32 s26, $0x1;
	_ =	strace $0x80000052;
	[dreg:$0x1] =	wrdreg $0xFFFFFFFF  }
0xa7: {  	s28 =	simm.s32 $_size_execute0_lowered;
	s2 =	sadd.s32 s2, s4;
	[dreg:$0x0] =	wrdreg $0x0  }
0xa8: {  	s4 =	sshll.u32 s28, $0x1;
	[dreg:$0x2] =	wrdreg s2  }
0xa9: {  	[dreg:$0x3] =	wrdreg s4  }
0xaa: {  	[dreg:$0x4] =	wrdreg $0xC0  }
0xab: {  	_ =	task [dreg:s6], $0x5FFFF  }
0xac: {  	[dreg:$0x1] =	wrdreg $0xFFFFFFFF  }
0xad: {  	[dreg:$0x0] =	wrdreg $0x60  }
0xae: {  	[dreg:$0x2] =	wrdreg s24  }
0xaf: {  	[dreg:$0x3] =	wrdreg $0x48000  }
0xb0: {  	[dreg:$0x4] =	wrdreg $0x9  }
0xb1: {  	_ =	task.clear_ibuf [dreg:s6], $0x5FFFF;
	_ =	strace $0x90000052  }
0xb2: {  	s29 =	simm.s32 $0x9;
	_ =	strace $0x80000054  }
0xb3: {  	_ =	swait.ge [sflag:s29], $0x1  }
0xb4: {  	[sflag:s29] =	ssyncadd.s32 $0xFFFFFFFF  }
0xb5: {  	_ =	strace $0x90000054  }
0xb6: {  	_ =	sfence  }
0xb7: {  	s30 =	sld [smem:$0x0];
	_ =	sdelay $0x2  }
0xb8: {  	s31 =	sshll.u32 s1, $0xD;
	s1 =	sshrl.u32 s1, $0x2  }
0xb9: {  	s3 =	sand.u32 $0x4000, s31;
	s1 =	sadd.s32 s1, s30  }
0xba: {  	s0 =	sor.u32 s3, s0;
	s1 =	sshll.u32 s1, $0x11  }
0xbb: {  	s0 =	sor.u32 s1, s0  }
0xbc: {  	s0 =	sadd.s32 $0x8F2B, s0  }
0xbd: {  	[sflag:s0] =	ssyncadd.remote.s32 $0x1  }
0xbe: {  	_ =	sfence.sel $0xFFFF  }
0xbf: {  	[dreg:$0x0] =	wrdreg $0xFFFFFFFF;
	(pc) =	sbr.abs _section_cstart, $3  }
0xc0: {  	[dreg:$0x1] =	wrdreg $0xFFFFFFFF  }
0xc1: {  	_ =	task.clear_ibuf [dreg:s6], $0x2FFFF;
	_ =	strace $0x9FFFFFFF  }
0xc2: {  	(tm) =	ssettm $0x7FFFFFFF  }
0xc3: {  	_ =	shalt  }
tec
execute0_lowered:
.L_overlay_start_1:
0x0: {  	(tag) =	ssettag $0x1  }
0x1: {  	s7 =	rddreg [dreg:$0x0]  }
0x2: {  	s2 =	rddreg [dreg:$0x1]  }
0x3: {  	s0 =	rddreg [dreg:$0x2]  }
0x4: {  	s3 =	simm.s32 $0x0;
	s1 =	stileid.u32;
	s4 =	srdreg.scid  }
0x5: {  	s15 =	simm.s32 $0x50;
	s16 =	simm.s32 $0x2000;
	s17 =	simm.s32 $0x1  }
0x6: {  	[smem:$0x7FF] =	sst s3;
	s8 =	smul.u32 $0x14000, s1;
	s9 =	sand.u32 $0x1, s4  }
0x7: {  	s4 =	sadd.s32 $0x2E000, s7;
	s5 =	sadd.s32 $0x7E000, s7;
	s13 =	smul.u32 $0x50000, s1  }
0x8: {  	s6 =	sadd.s32 $0xA6000, s7;
	s30 =	sshll.u32 s1, $0x6;
	s31 =	smul.u32 $0xA000, s1  }
0x9: {  	_ =	strace $0x80000053;
	s10 =	smul.u32 $0x140000, s9;
	s28 =	ssub.s32 $0x2, s9  }
0xa: {  	s9 =	smul.u32 $0xA0000, s9;
	s11 =	sshrl.u32 s8, $0x3;
	s12 =	sshrl.u32 s28, $0x1  }
0xb: {  	s29 =	sshrl.u32 s13, $0x2;
	s11 =	sadd.s32 s11, s7;
	s8 =	sadd.s32 s8, s10  }
0xc: {  	s12 =	ssub.s32 s28, s12;
	s13 =	sadd.s32 s29, s2;
	s8 =	sshrl.u32 s8, $0x3  }
0xd: {  	s9 =	sadd.s32 s31, s9;
	s14 =	sadd.s32 s8, s7;
	s7 =	sadd.s32 $0x6000, s11  }
0xe: {  	s8 =	sor.u32 $0x1C02, s30;
	s11 =	smax.u32 s12, $0x1;
	s12 =	sshrl.u32 s13, $0x3  }
0xf: {  	s13 =	simm.s32 $0x2;
	s10 =	sadd.s32 $0xCE000, s14;
	s14 =	simm.s32 $0x1000  }
.LBB2_1:
0x10: {  	[spmem:s12], [sflag:s8] =	dma.local [hbm:s7], $0x2800  }
0x11: {  	_ =	swait.ge [sflag:s13], $0x2800  }
0x12: {  	[sflag:s13] =	ssyncset.done $0x0  }
0x13: {  	[sflag:s13] =	ssyncadd.s32 $0xFFFFD800  }
0x14: {  	s18 =	simm.s32 $0x0;
	[bflag:$0x0] =	sbarrier.arrive $0xFFFF  }
.LBB2_2:
0x15: {  	s19 =	sshll.u32 s18, $0xC  }
0x16: {  	s19 =	sadd.s32 s19, s9  }
0x17: {  	s19 =	sshrl.u32 s19, $0x3  }
0x18: {  	s21 =	simm.s32 $0x0;
	s20 =	sadd.s32 s5, s19  }
0x19: {  	[tilespmem:s21], [sflag:$0x2] =	stream.linear.gather [hbm4b:s20+s21], $0xC80, $0x38;
	[tilespmem:$0x18800] =	vst v63  }
0x1a: {  	_ =	swait.ge [sflag:s13], $0xC80  }
0x1b: {  	[sflag:s13] =	ssyncset.done $0x0  }
0x1c: {  	s19 =	sadd.s32 s6, s19;
	[sflag:s13] =	ssyncadd.s32 $0xFFFFF380  }
0x1d: {  	[tilespmem:s14], [sflag:$0x2] =	stream.linear.gather [hbm4b:s19+s21], $0xC80, $0x38;
	[tilespmem:$0x18800] =	vst v63  }
0x1e: {  	_ =	swait.ge [sflag:s13], $0xC80  }
0x1f: {  	[sflag:s13] =	ssyncset.done $0x0  }
0x20: {  	s30 =	simm.s32 $0x0;
	[sflag:s13] =	ssyncadd.s32 $0xFFFFF380  }
0x21: {  	[tilespmem:s16], [sflag:$0x1] =	stream.indirect.gather [hbm4b:s4+s15], $0x80, s30, s15, $0xb8;
	[tilespmem:$0x18800] =	vst v63  }
0x22: {  	_ =	swait.ge [sflag:s17], $0x2800  }
0x23: {  	[sflag:s17] =	ssyncset.done $0x0  }
0x24: {  	s31 =	simm.s32 $0x1000;
	[sflag:s17] =	ssyncadd.s32 $0xFFFFD800  }
0x25: {  	[spmem:s2] =	stream.indirect.scatter.add.f32 [tilespmem:s16], [sflag:$0x2], $0x80, s31, s15, $0xb8;
	[tilespmem:$0x18800] =	vst v63  }
0x26: {  	_ =	swait.ge [sflag:s13], $0x2800  }
0x27: {  	s20 =	simm.s32 $0x400;
	s19 =	simm.s32 $0x200;
	[sflag:s13] =	ssyncset.done $0x0  }
.LBB2_3:
0x28: {  	s21 =	sshra.s32 s19, $0x2  }
0x29: {  	[sflag:s13] =	ssyncadd.s32 $0xFFFFD800;
	s19 =	smov.u32 s20;
	s22 =	sadd.s32 $0x200, s20  }
0x2a: {  	[tilespmem:s16], [sflag:$0x1] =	stream.indirect.gather [hbm4b:s4+s15], $0x80, s21, s15, $0xb8;
	[tilespmem:$0x18800] =	vst v63  }
0x2b: {  	p0 =	sne.s32 s20, $0x3000;
	_ =	swait.ge [sflag:s17], $0x2800  }
.Ltmp0:
0x2c: {  	[sflag:s17] =	ssyncset.done $0x0;
	(pc) =	sbr.rel @p0 .LBB2_3-.Ltmp0, $4  }
0x2d: {  	s20 =	sadd.s32 $0x1000, s21;
	[sflag:s17] =	ssyncadd.s32 $0xFFFFD800  }
0x2e: {  	[spmem:s2] =	stream.indirect.scatter.add.f32 [tilespmem:s16], [sflag:$0x2], $0x80, s20, s15, $0xb8;
	[tilespmem:$0x18800] =	vst v63  }
0x2f: {  	_ =	swait.ge [sflag:s13], $0x2800  }
0x30: {  	s20 =	smov.u32 s22;
	[sflag:s13] =	ssyncset.done $0x0  }
0x31: {  	s19 =	sshra.s32 s19, $0x2;
	[sflag:s13] =	ssyncadd.s32 $0xFFFFD800  }
0x32: {  	[tilespmem:s16], [sflag:$0x1] =	stream.indirect.gather [hbm4b:s4+s15], $0x80, s19, s15, $0xb8;
	[tilespmem:$0x18800] =	vst v63  }
0x33: {  	s18 =	sadd.s32 $0x1, s18;
	_ =	swait.ge [sflag:s17], $0x2800  }
0x34: {  	p0 =	sne.s32 s18, $0xA;
	[sflag:s17] =	ssyncset.done $0x0  }
.Ltmp1:
0x35: {  	s19 =	sadd.s32 $0x1000, s19;
	[sflag:s17] =	ssyncadd.s32 $0xFFFFD800;
	(pc) =	sbr.rel @p0 .LBB2_2-.Ltmp1, $4  }
0x36: {  	[spmem:s2] =	stream.indirect.scatter.add.f32 [tilespmem:s16], [sflag:$0x2], $0x80, s19, s15, $0xb8;
	[tilespmem:$0x18800] =	vst v63  }
0x37: {  	_ =	swait.ge [sflag:s13], $0x2800  }
0x38: {  	[sflag:s13] =	ssyncset.done $0x0  }
0x39: {  	[sflag:s13] =	ssyncadd.s32 $0xFFFFD800  }
0x3a: {  	s3 =	sadd.s32 $0x1, s3  }
0x3b: {  	p0 =	sne.s32 s3, s11  }
.Ltmp2:
0x3c: {  	[bflag:$0x0] =	sbarrier.arrive $0xFFFF;
	(pc) =	sbr.rel @p0 .LBB2_1-.Ltmp2, $4  }
0x3d: {  	[hbm:s10], [sflag:s8] =	dma.local [spmem:s12], $0x2800  }
0x3e: {  	_ =	swait.ge [sflag:s13], $0x2800  }
0x3f: {  	[sflag:s13] =	ssyncset.done $0x0  }
0x40: {  	[sflag:s13] =	ssyncadd.s32 $0xFFFFD800  }
0x41: {  	_ =	sfence.sel $0x180000  }
0x42: {  	[bflag:$0x0] =	sbarrier.arrive $0xFFFF  }
0x43: {  	p0 =	sne.s32 s1, $0x0;
	_ =	strace $0x90000053  }
0x44: {  	s0 =	sadd.s32 @!p0 $0x100000, s0;
	[bflag:$0x2] =	sbarrier.arrive $0xFFFF  }
0x45: {  	[sflag:s0] =	ssyncadd.tile.s32 @!p0 $0x1;
	_ =	shalt  }
.Lfunc_end2:
_tile_overlayer_lowered:
.L_overlay_start_2:
0x46: {  	(tag) =	ssettag $0x2  }
0x47: {  	s0 =	rddreg [dreg:$0x0];
	s2 =	stileid.u32  }
0x48: {  	s1 =	rddreg [dreg:$0x1];
	p0 =	sne.s32 s2, $0x0  }
0x49: {  	s3 =	rddreg [dreg:$0x2];
	[bflag:$0x3] =	sbarrier.arrive $0xFFFF;
	s2 =	simm.s32 @!p0 $0x1C02  }
0x4a: {  	[timem:s3], [sflag:s2] =	dma.local @!p0 [hbm:s0], s1  }
0x4b: {  	s0 =	simm.s32 @!p0 $0x2  }
0x4c: {  	_ =	swait.ge @!p0 [sflag:s0], s1  }
0x4d: {  	s1 =	ssub.s32 @!p0 $0x0, s1;
	[sflag:s0] =	ssyncset.done @!p0 $0x0  }
0x4e: {  	[sflag:s0] =	ssyncadd.s32 @!p0 s1  }
0x4f: {  	[bflag:$0x3] =	sbarrier.arrive $0xFFFF  }
0x50: {  	_ =	shalt  }

</sc_bundles>
